<compile_context>
chip_gen: v7x
topology: tpu7x:2x2x1
jax: 0.10.2.dev20260603
libtpu: 0.0.44.dev20260713+nightly
codegen_flags: <defaults>
</compile_context>

<pallas_src>
import functools

import jax
import jax.numpy as jnp
from jax import lax
from jax.experimental import pallas as pl
from jax.experimental.pallas import tpu as pltpu
from jax.experimental.pallas import tpu_sc as plsc

EMBED = 30
D_PAD = 32
B_EDGES = 800000
NUM_CORES = 2
NUM_SUBCORES = 16
CHUNK = 128
DEPTH = 4
C0_CHUNKS = 352
C1_CHUNKS = 48
E0 = C0_CHUNKS * CHUNK
E1 = C1_CHUNKS * CHUNK
SC0_TOTAL = NUM_SUBCORES * E0
B_PAD = NUM_SUBCORES * (E0 + E1)
EPR = 8
OUT_ROWS = B_PAD // EPR
CHUNK_ROWS = CHUNK // EPR


def _sc_gather_mul(table, idx2):
    mesh = plsc.VectorSubcoreMesh(core_axis_name="c", subcore_axis_name="s")

    scratch = [
        pltpu.VMEM((2 * E0,), jnp.int32),
    ]
    for _ in range(DEPTH):
        scratch += [
            pltpu.VMEM((2 * CHUNK, D_PAD), jnp.bfloat16),
            pltpu.VMEM((CHUNK_ROWS, 128), jnp.int32),
        ]
    scratch += [pltpu.SemaphoreType.DMA] * (2 * DEPTH)

    @functools.partial(
        pl.kernel,
        mesh=mesh,
        out_type=jax.ShapeDtypeStruct((OUT_ROWS, 128), jnp.int32),
        scratch_types=scratch,
        compiler_params=pltpu.CompilerParams(use_tc_tiling_on_sc=False,
                                             needs_layout_passes=False),
    )
    def k(table_hbm, idx_hbm, out_hbm, cidx, *rest):
        rows = rest[:2 * DEPTH]
        sem_g = rest[2 * DEPTH:2 * DEPTH + DEPTH]
        sem_w = rest[2 * DEPTH + DEPTH:]
        bufs = [(rows[2 * b], rows[2 * b + 1]) for b in range(DEPTH)]

        cid = lax.axis_index("c")
        sid = lax.axis_index("s")
        base = jnp.where(cid == 0, sid * E0, SC0_TOTAL + sid * E1)
        n_chunks = jnp.where(cid == 0, C0_CHUNKS, C1_CHUNKS)

        @pl.when(cid == 0)
        def _():
            pltpu.sync_copy(idx_hbm.at[pl.ds(2 * base, 2 * E0)], cidx)

        @pl.when(cid == 1)
        def _():
            pltpu.sync_copy(idx_hbm.at[pl.ds(2 * base, 2 * E1)],
                            cidx.at[pl.ds(0, 2 * E1)])

        def fire(c, b):
            rbuf, _ = bufs[b]
            pltpu.async_copy(
                table_hbm.at[cidx.at[pl.ds(c * 2 * CHUNK, 2 * CHUNK)]],
                rbuf, sem_g[b])

        def consume(c, b, g_it):
            rbuf, prod = bufs[b]
            obase = (base // EPR) + c * CHUNK_ROWS

            @pl.when(g_it > 0)
            def _():
                pltpu.make_async_copy(
                    prod, out_hbm.at[pl.ds(obase, CHUNK_ROWS)],
                    sem_w[b]).wait()

            pltpu.make_async_copy(
                table_hbm.at[cidx.at[pl.ds(c * 2 * CHUNK, 2 * CHUNK)]],
                rbuf, sem_g[b]).wait()

            @plsc.parallel_loop(0, CHUNK, 1, unroll=8)
            def _(i):
                p = rbuf[i, :] * rbuf[CHUNK + i, :]
                pi = plsc.bitcast(p, jnp.int32)
                prod[i // EPR, pl.ds((i % EPR) * 16, 16)] = pi

            pltpu.async_copy(
                prod, out_hbm.at[pl.ds(obase, CHUNK_ROWS)], sem_w[b])

            @pl.when(c + DEPTH < n_chunks)
            def _():
                fire(c + DEPTH, b)

        for b in range(DEPTH):
            fire(b, b)

        def group_body(g_it, carry):
            for b in range(DEPTH):
                consume(g_it * DEPTH + b, b, g_it)
            return carry

        lax.fori_loop(0, n_chunks // DEPTH, group_body, 0)

        for b in range(DEPTH):
            c = n_chunks - DEPTH + b
            pltpu.make_async_copy(
                bufs[b][1],
                out_hbm.at[pl.ds((base // EPR) + c * CHUNK_ROWS,
                                 CHUNK_ROWS)],
                sem_w[b]).wait()

    return k(table, idx2)


def _tc_mlp_loss(e8, labt, w1e, w1o, b1t, wdsel, bdiff):
    grid = 32
    bt = OUT_ROWS // grid

    def body(e_ref, l_ref, w1e_ref, w1o_ref, b1_ref, wd_ref, bd_ref,
             out_ref):
        ei = e_ref[...]
        evens = lax.bitcast_convert_type(ei << 16, jnp.float32)
        odds = lax.bitcast_convert_type(
            ei & jnp.int32(-65536), jnp.float32)
        h = (jnp.dot(evens, w1e_ref[...],
                     preferred_element_type=jnp.float32)
             + jnp.dot(odds, w1o_ref[...],
                       preferred_element_type=jnp.float32))
        h = jnp.maximum(h + b1_ref[...], 0.0)
        d8 = jnp.dot(h, wd_ref[...], preferred_element_type=jnp.float32)
        d = d8.T + bd_ref[0, 0]
        p0 = jnp.where(d >= 0.0,
                       1.0 / (1.0 + jnp.exp(-d)),
                       jnp.exp(d) / (1.0 + jnp.exp(d)))
        p1 = 1.0 - p0
        lse = jnp.log(jnp.exp(p0) + jnp.exp(p1))
        lab = l_ref[...]
        psel = p0 + lab * (1.0 - 2.0 * p0)
        loss_vec = lse - psel
        step = pl.program_id(0)
        edge = (lax.broadcasted_iota(jnp.int32, (EPR, bt), 0)
                + lax.broadcasted_iota(jnp.int32, (EPR, bt), 1) * EPR
                + step * bt * EPR)
        loss_vec = jnp.where(edge < B_EDGES, loss_vec, 0.0)
        s = jnp.sum(loss_vec)

        @pl.when(step == 0)
        def _():
            out_ref[0, 0] = 0.0

        out_ref[0, 0] += s

    return pl.pallas_call(
        body,
        grid=(grid,),
        in_specs=[
            pl.BlockSpec((bt, 128), lambda i: (i, 0)),
            pl.BlockSpec((EPR, bt), lambda i: (0, i)),
            pl.BlockSpec((128, 256), lambda i: (0, 0)),
            pl.BlockSpec((128, 256), lambda i: (0, 0)),
            pl.BlockSpec((1, 256), lambda i: (0, 0)),
            pl.BlockSpec((256, EPR), lambda i: (0, 0)),
            pl.BlockSpec(memory_space=pltpu.SMEM),
        ],
        out_specs=pl.BlockSpec(memory_space=pltpu.SMEM),
        out_shape=jax.ShapeDtypeStruct((1, 1), jnp.float32),
    )(e8, labt, w1e, w1o, b1t, wdsel, bdiff)


def kernel(edges, labels, word_embeddings, W1, b1, W2, b2):
    edges = edges.astype(jnp.int32)
    ep = jnp.pad(edges, ((0, B_PAD - B_EDGES), (0, 0)))
    idx2 = jnp.transpose(ep.reshape(B_PAD // CHUNK, CHUNK, 2),
                         (0, 2, 1)).reshape(2 * B_PAD)
    table = jnp.pad(word_embeddings.astype(jnp.bfloat16),
                    ((0, 0), (0, D_PAD - EMBED)))
    e8 = _sc_gather_mul(table, idx2)

    w1p = jnp.pad(W1, ((0, D_PAD - EMBED), (0, D_PAD - EMBED)))
    b1p = jnp.pad(b1, (0, D_PAD - EMBED))
    wdp = jnp.pad(W2[:, 0] - W2[:, 1], (0, D_PAD - EMBED))
    eye8 = jnp.eye(EPR, dtype=jnp.float32)
    w1e = jnp.kron(eye8, w1p[0::2, :])
    w1o = jnp.kron(eye8, w1p[1::2, :])
    b1t = jnp.tile(b1p, EPR)[None, :]
    wdsel = jnp.kron(eye8, wdp[:, None])

    labpad = jnp.pad(labels.astype(jnp.float32), (0, B_PAD - B_EDGES))
    labt = jnp.stack([labpad[g::EPR] for g in range(EPR)], axis=0)
    bdiff = (b2[0] - b2[1]).reshape(1, 1)
    out = _tc_mlp_loss(e8, labt, w1e, w1o, b1t, wdsel, bdiff)
    return out[0, 0] / jnp.float32(B_EDGES)

# --- scband reference (transcript-rebuilt; emitter-appended) ---
"""Pipeline reference for scband-deep-walk-16200616640516 (READ-ONLY COPY).

The authoritative reference and input builder live on the scoring server;
editing this copy changes nothing except your own understanding.
"""

import jax, jax.numpy as jnp
import numpy as np

N_NODES = 50000
N_EDGES = 800000
EMBED = 30


def setup_inputs(seed: int = 0) -> dict:
    key = jax.random.key(seed)
    k1, k2, k3, k4, k5, k6, k7 = jax.random.split(key, 7)
    edges = jax.random.randint(k1, (N_EDGES, 2), 0, N_NODES, dtype=jnp.int64)
    labels = jax.random.randint(k2, (N_EDGES,), 0, 2, dtype=jnp.int64)
    word_embeddings = jax.random.normal(k3, (N_NODES, EMBED), dtype=jnp.float32)
    # LineNetwork params: Linear(embed->embed) -> ReLU -> Linear(embed->2)
    W1 = jax.random.normal(k4, (EMBED, EMBED), dtype=jnp.float32) * (1.0 / np.sqrt(EMBED))
    b1 = jax.random.normal(k5, (EMBED,), dtype=jnp.float32) * 0.01
    W2 = jax.random.normal(k6, (EMBED, 2), dtype=jnp.float32) * (1.0 / np.sqrt(EMBED))
    b2 = jax.random.normal(k7, (2,), dtype=jnp.float32) * 0.01
    return {"edges": edges, "labels": labels, "word_embeddings": word_embeddings,
            "W1": W1, "b1": b1, "W2": W2, "b2": b2}


def reference(edges, labels, word_embeddings, W1, b1, W2, b2):
    # edges: [B, 2] -> permute to [2, B]
    e = edges.T
    src_nodes = e[0]
    dst_nodes = e[1]
    # index_select -> gather rows from embedding table
    src_embeddings = jnp.take(word_embeddings, src_nodes, axis=0)
    dst_embeddings = jnp.take(word_embeddings, dst_nodes, axis=0)
    edge_embeddings = src_embeddings * dst_embeddings
    # LineNetwork forward
    h = jax.nn.relu(edge_embeddings @ W1 + b1)
    logits = h @ W2 + b2
    # module applies Softmax, then nn.CrossEntropyLoss (which applies log_softmax again)
    output = jax.nn.softmax(logits, axis=-1)
    logp = jax.nn.log_softmax(output, axis=-1)
    loss = -jnp.mean(jnp.take_along_axis(logp, labels[:, None], axis=1))
    return loss

if __name__ == "__main__":
    import jax
    _d = setup_inputs()
    print(jax.jit(kernel)(*tuple(_d.values())))

</pallas_src>

<mosaic_0001>
#map = affine_map<(d0, d1) -> (0, 0)>
#map1 = affine_map<(d0, d1) -> (0)>
module attributes {stable_mosaic.version = 14 : i64} {
  func.func @k(%arg0: i32, %arg1: i32, %arg2: memref<50000x32xbf16, #tpu.memory_space<hbm>>, %arg3: memref<1638400xi32, #tpu.memory_space<hbm>>, %arg4: memref<102400x128xi32, #tpu.memory_space<hbm>>, %arg5: memref<90112xi32, #tpu.memory_space<vmem>>, %arg6: memref<256x32xbf16, #tpu.memory_space<vmem>>, %arg7: memref<16x128xi32, #tpu.memory_space<vmem>>, %arg8: memref<256x32xbf16, #tpu.memory_space<vmem>>, %arg9: memref<16x128xi32, #tpu.memory_space<vmem>>, %arg10: memref<256x32xbf16, #tpu.memory_space<vmem>>, %arg11: memref<16x128xi32, #tpu.memory_space<vmem>>, %arg12: memref<256x32xbf16, #tpu.memory_space<vmem>>, %arg13: memref<16x128xi32, #tpu.memory_space<vmem>>, %arg14: memref<!tpu.dma_semaphore, #tpu.memory_space<semaphore_mem>>, %arg15: memref<!tpu.dma_semaphore, #tpu.memory_space<semaphore_mem>>, %arg16: memref<!tpu.dma_semaphore, #tpu.memory_space<semaphore_mem>>, %arg17: memref<!tpu.dma_semaphore, #tpu.memory_space<semaphore_mem>>, %arg18: memref<!tpu.dma_semaphore, #tpu.memory_space<semaphore_mem>>, %arg19: memref<!tpu.dma_semaphore, #tpu.memory_space<semaphore_mem>>, %arg20: memref<!tpu.dma_semaphore, #tpu.memory_space<semaphore_mem>>, %arg21: memref<!tpu.dma_semaphore, #tpu.memory_space<semaphore_mem>>) attributes {dimension_semantics = [#tpu.dimension_semantics<core_parallel>, #tpu.dimension_semantics<subcore_parallel>], iteration_bounds = array<i64: 2, 16>, scalar_prefetch = 0 : i64, scratch_operands = 17 : i64, tpu.core_type = #tpu.core_type<sc_vector_subcore>, window_params = [{transform_indices = #map}, {transform_indices = #map1}, {transform_indices = #map}]} {
    %eq3A = arith.constant 0 : i32
    %eq3A_0 = arith.cmpi eq, %arg0, %eq3A : i32
    %mul3A = arith.constant 45056 : i32
    %mul3A_1 = arith.muli %arg1, %mul3A : i32
    %mul3A_2 = arith.constant 6144 : i32
    %mul3A_3 = arith.muli %arg1, %mul3A_2 : i32
    %add3A = arith.constant 720896 : i32
    %add3A_4 = arith.addi %add3A, %mul3A_3 : i32
    %select_n3A = arith.select %eq3A_0, %mul3A_1, %add3A_4 : i32
    %eq3A_5 = arith.constant 0 : i32
    %eq3A_6 = arith.cmpi eq, %arg0, %eq3A_5 : i32
    %jit3A = arith.constant 352 : i32
    %jit3A_7 = arith.constant 48 : i32
    %select_n3A_8 = arith.select %eq3A_6, %jit3A, %jit3A_7 : i32
    %eq3A_9 = arith.constant 0 : i32
    %eq3A_10 = arith.cmpi eq, %arg0, %eq3A_9 : i32
    %convert_element_type3A = arith.extui %eq3A_10 : i1 to i32
    %cond3A = arith.constant 0 : i32
    %cond3A_11 = arith.cmpi ne, %convert_element_type3A, %cond3A : i32
    scf.if %cond3A_11 {
      %mul3A_202 = arith.constant 2 : i32
      %mul3A_203 = arith.muli %mul3A_202, %select_n3A : i32
      "tpu.region"() ({
        %run_scoped3A = tpu.sem_alloc : memref<!tpu.dma_semaphore, #tpu.memory_space<semaphore_mem>>
        %dma_start3A_204 = tpu.memref_slice %arg3[%mul3A_203] : memref<1638400xi32, #tpu.memory_space<hbm>> -> memref<90112xi32, #tpu.memory_space<hbm>>
        %dma_start3A_205 = tpu.memref_slice %arg3[%mul3A_203] : memref<1638400xi32, #tpu.memory_space<hbm>> -> memref<90112xi32, #tpu.memory_space<hbm>>
        tpu.enqueue_dma source(%dma_start3A_205 : memref<90112xi32, #tpu.memory_space<hbm>>) target(%arg5 : memref<90112xi32, #tpu.memory_space<vmem>>) target_semaphore(%run_scoped3A : memref<!tpu.dma_semaphore, #tpu.memory_space<semaphore_mem>>)
        %dma_wait3A_206 = tpu.memref_slice %arg3[%mul3A_203] : memref<1638400xi32, #tpu.memory_space<hbm>> -> memref<90112xi32, #tpu.memory_space<hbm>>
        %dma_wait3A_207 = tpu.memref_slice %arg3[%mul3A_203] : memref<1638400xi32, #tpu.memory_space<hbm>> -> memref<90112xi32, #tpu.memory_space<hbm>>
        tpu.wait_dma2 semaphore(%run_scoped3A : memref<!tpu.dma_semaphore, #tpu.memory_space<semaphore_mem>>) src(%dma_wait3A_207 : memref<90112xi32, #tpu.memory_space<hbm>>) dst(%arg5 : memref<90112xi32, #tpu.memory_space<vmem>>)
        tpu.yield
      }) : () -> ()
    } else {
    }
    %eq3A_12 = arith.constant 1 : i32
    %eq3A_13 = arith.cmpi eq, %arg0, %eq3A_12 : i32
    %convert_element_type3A_14 = arith.extui %eq3A_13 : i1 to i32
    %cond3A_15 = arith.constant 0 : i32
    %cond3A_16 = arith.cmpi ne, %convert_element_type3A_14, %cond3A_15 : i32
    scf.if %cond3A_16 {
      %mul3A_202 = arith.constant 2 : i32
      %mul3A_203 = arith.muli %mul3A_202, %select_n3A : i32
      "tpu.region"() ({
        %run_scoped3A = tpu.sem_alloc : memref<!tpu.dma_semaphore, #tpu.memory_space<semaphore_mem>>
        %dma_start3A_204 = arith.constant 0 : i32
        %dma_start3A_205 = tpu.memref_slice %arg5[%dma_start3A_204] : memref<90112xi32, #tpu.memory_space<vmem>> -> memref<12288xi32, #tpu.memory_space<vmem>>
        %dma_start3A_206 = tpu.memref_slice %arg3[%mul3A_203] : memref<1638400xi32, #tpu.memory_space<hbm>> -> memref<12288xi32, #tpu.memory_space<hbm>>
        %dma_start3A_207 = arith.constant 0 : i32
        %dma_start3A_208 = tpu.memref_slice %arg5[%dma_start3A_207] : memref<90112xi32, #tpu.memory_space<vmem>> -> memref<12288xi32, #tpu.memory_space<vmem>>
        %dma_start3A_209 = tpu.memref_slice %arg3[%mul3A_203] : memref<1638400xi32, #tpu.memory_space<hbm>> -> memref<12288xi32, #tpu.memory_space<hbm>>
        tpu.enqueue_dma source(%dma_start3A_209 : memref<12288xi32, #tpu.memory_space<hbm>>) target(%dma_start3A_208 : memref<12288xi32, #tpu.memory_space<vmem>>) target_semaphore(%run_scoped3A : memref<!tpu.dma_semaphore, #tpu.memory_space<semaphore_mem>>)
        %dma_wait3A_210 = arith.constant 0 : i32
        %dma_wait3A_211 = tpu.memref_slice %arg5[%dma_wait3A_210] : memref<90112xi32, #tpu.memory_space<vmem>> -> memref<12288xi32, #tpu.memory_space<vmem>>
        %dma_wait3A_212 = tpu.memref_slice %arg3[%mul3A_203] : memref<1638400xi32, #tpu.memory_space<hbm>> -> memref<12288xi32, #tpu.memory_space<hbm>>
        %dma_wait3A_213 = arith.constant 0 : i32
        %dma_wait3A_214 = tpu.memref_slice %arg5[%dma_wait3A_213] : memref<90112xi32, #tpu.memory_space<vmem>> -> memref<12288xi32, #tpu.memory_space<vmem>>
        %dma_wait3A_215 = tpu.memref_slice %arg3[%mul3A_203] : memref<1638400xi32, #tpu.memory_space<hbm>> -> memref<12288xi32, #tpu.memory_space<hbm>>
        tpu.wait_dma2 semaphore(%run_scoped3A : memref<!tpu.dma_semaphore, #tpu.memory_space<semaphore_mem>>) src(%dma_wait3A_215 : memref<12288xi32, #tpu.memory_space<hbm>>) dst(%dma_wait3A_214 : memref<12288xi32, #tpu.memory_space<vmem>>)
        tpu.yield
      }) : () -> ()
    } else {
    }
    %dma_start3A = arith.constant 0 : i32
    %dma_start3A_17 = tpu.memref_slice %arg5[%dma_start3A] : memref<90112xi32, #tpu.memory_space<vmem>> -> memref<256xi32, #tpu.memory_space<vmem>>
    %dma_start3A_18 = arith.constant 0 : i32
    %dma_start3A_19 = arith.constant 0 : i32
    %dma_start3A_20 = tpu.memref_slice %arg2[%dma_start3A_18, %dma_start3A_19] : memref<50000x32xbf16, #tpu.memory_space<hbm>> -> memref<50000x32xbf16, #tpu.memory_space<hbm>>
    tpu.enqueue_indirect_dma source(%dma_start3A_20 : memref<50000x32xbf16, #tpu.memory_space<hbm>>) target(%arg6 : memref<256x32xbf16, #tpu.memory_space<vmem>>) offsets(%dma_start3A_17 : memref<256xi32, #tpu.memory_space<vmem>>) semaphore(%arg14 : memref<!tpu.dma_semaphore, #tpu.memory_space<semaphore_mem>>)
    %dma_start3A_21 = arith.constant 256 : i32
    %dma_start3A_22 = tpu.memref_slice %arg5[%dma_start3A_21] : memref<90112xi32, #tpu.memory_space<vmem>> -> memref<256xi32, #tpu.memory_space<vmem>>
    %dma_start3A_23 = arith.constant 0 : i32
    %dma_start3A_24 = arith.constant 0 : i32
    %dma_start3A_25 = tpu.memref_slice %arg2[%dma_start3A_23, %dma_start3A_24] : memref<50000x32xbf16, #tpu.memory_space<hbm>> -> memref<50000x32xbf16, #tpu.memory_space<hbm>>
    tpu.enqueue_indirect_dma source(%dma_start3A_25 : memref<50000x32xbf16, #tpu.memory_space<hbm>>) target(%arg8 : memref<256x32xbf16, #tpu.memory_space<vmem>>) offsets(%dma_start3A_22 : memref<256xi32, #tpu.memory_space<vmem>>) semaphore(%arg15 : memref<!tpu.dma_semaphore, #tpu.memory_space<semaphore_mem>>)
    %dma_start3A_26 = arith.constant 512 : i32
    %dma_start3A_27 = tpu.memref_slice %arg5[%dma_start3A_26] : memref<90112xi32, #tpu.memory_space<vmem>> -> memref<256xi32, #tpu.memory_space<vmem>>
    %dma_start3A_28 = arith.constant 0 : i32
    %dma_start3A_29 = arith.constant 0 : i32
    %dma_start3A_30 = tpu.memref_slice %arg2[%dma_start3A_28, %dma_start3A_29] : memref<50000x32xbf16, #tpu.memory_space<hbm>> -> memref<50000x32xbf16, #tpu.memory_space<hbm>>
    tpu.enqueue_indirect_dma source(%dma_start3A_30 : memref<50000x32xbf16, #tpu.memory_space<hbm>>) target(%arg10 : memref<256x32xbf16, #tpu.memory_space<vmem>>) offsets(%dma_start3A_27 : memref<256xi32, #tpu.memory_space<vmem>>) semaphore(%arg16 : memref<!tpu.dma_semaphore, #tpu.memory_space<semaphore_mem>>)
    %dma_start3A_31 = arith.constant 768 : i32
    %dma_start3A_32 = tpu.memref_slice %arg5[%dma_start3A_31] : memref<90112xi32, #tpu.memory_space<vmem>> -> memref<256xi32, #tpu.memory_space<vmem>>
    %dma_start3A_33 = arith.constant 0 : i32
    %dma_start3A_34 = arith.constant 0 : i32
    %dma_start3A_35 = tpu.memref_slice %arg2[%dma_start3A_33, %dma_start3A_34] : memref<50000x32xbf16, #tpu.memory_space<hbm>> -> memref<50000x32xbf16, #tpu.memory_space<hbm>>
    tpu.enqueue_indirect_dma source(%dma_start3A_35 : memref<50000x32xbf16, #tpu.memory_space<hbm>>) target(%arg12 : memref<256x32xbf16, #tpu.memory_space<vmem>>) offsets(%dma_start3A_32 : memref<256xi32, #tpu.memory_space<vmem>>) semaphore(%arg17 : memref<!tpu.dma_semaphore, #tpu.memory_space<semaphore_mem>>)
    %jit3A_36 = arith.constant 4 : i32
    %div3A = arith.divsi %select_n3A_8, %jit3A_36 : i32
    %sign3A = arith.constant 0 : i32
    %sign3A_37 = arith.cmpi sgt, %select_n3A_8, %sign3A : i32
    %sign3A_38 = arith.extui %sign3A_37 : i1 to i32
    %sign3A_39 = arith.constant 0 : i32
    %sign3A_40 = arith.cmpi slt, %select_n3A_8, %sign3A_39 : i32
    %sign3A_41 = arith.extui %sign3A_40 : i1 to i32
    %sign3A_42 = arith.subi %sign3A_38, %sign3A_41 : i32
    %sign3A_43 = arith.constant 0 : i32
    %sign3A_44 = arith.cmpi sgt, %jit3A_36, %sign3A_43 : i32
    %sign3A_45 = arith.extui %sign3A_44 : i1 to i32
    %sign3A_46 = arith.constant 0 : i32
    %sign3A_47 = arith.cmpi slt, %jit3A_36, %sign3A_46 : i32
    %sign3A_48 = arith.extui %sign3A_47 : i1 to i32
    %sign3A_49 = arith.subi %sign3A_45, %sign3A_48 : i32
    %ne3A = arith.cmpi ne, %sign3A_42, %sign3A_49 : i32
    %rem3A = arith.remsi %select_n3A_8, %jit3A_36 : i32
    %ne3A_50 = arith.constant 0 : i32
    %ne3A_51 = arith.cmpi ne, %rem3A, %ne3A_50 : i32
    %and3A = arith.andi %ne3A, %ne3A_51 : i1
    %sub3A = arith.constant 1 : i32
    %sub3A_52 = arith.subi %div3A, %sub3A : i32
    %select_n3A_53 = arith.select %and3A, %sub3A_52, %div3A : i32
    %while3A = arith.constant 0 : i32
    %while3A_54 = arith.constant 0 : i32
    %while3A_55 = arith.subi %select_n3A_53, %while3A_54 : i32
    %while3A_56 = arith.addi %while3A_54, %while3A_55 : i32
    %while3A_57 = arith.constant 1 : i32
    %while3A_58 = arith.divsi %while3A_55, %while3A_57 : i32
    %while3A_59 = arith.muli %while3A_58, %while3A_57 : i32
    %while3A_60 = arith.addi %while3A_54, %while3A_59 : i32
    %while3A_61 = arith.constant 1 : i32
    scf.for %while3A_202 = %while3A_54 to %while3A_60 step %while3A_61  : i32 {
      %mul3A_203 = arith.constant 4 : i32
      %mul3A_204 = arith.muli %while3A_202, %mul3A_203 : i32
      %add3A_205 = arith.constant 0 : i32
      %add3A_206 = arith.addi %mul3A_204, %add3A_205 : i32
      %jit3A_207 = arith.constant 8 : i32
      %div3A_208 = arith.divsi %select_n3A, %jit3A_207 : i32
      %sign3A_209 = arith.constant 0 : i32
      %sign3A_210 = arith.cmpi sgt, %select_n3A, %sign3A_209 : i32
      %sign3A_211 = arith.extui %sign3A_210 : i1 to i32
      %sign3A_212 = arith.constant 0 : i32
      %sign3A_213 = arith.cmpi slt, %select_n3A, %sign3A_212 : i32
      %sign3A_214 = arith.extui %sign3A_213 : i1 to i32
      %sign3A_215 = arith.subi %sign3A_211, %sign3A_214 : i32
      %sign3A_216 = arith.constant 0 : i32
      %sign3A_217 = arith.cmpi sgt, %jit3A_207, %sign3A_216 : i32
      %sign3A_218 = arith.extui %sign3A_217 : i1 to i32
      %sign3A_219 = arith.constant 0 : i32
      %sign3A_220 = arith.cmpi slt, %jit3A_207, %sign3A_219 : i32
      %sign3A_221 = arith.extui %sign3A_220 : i1 to i32
      %sign3A_222 = arith.subi %sign3A_218, %sign3A_221 : i32
      %ne3A_223 = arith.cmpi ne, %sign3A_215, %sign3A_222 : i32
      %rem3A_224 = arith.remsi %select_n3A, %jit3A_207 : i32
      %ne3A_225 = arith.constant 0 : i32
      %ne3A_226 = arith.cmpi ne, %rem3A_224, %ne3A_225 : i32
      %and3A_227 = arith.andi %ne3A_223, %ne3A_226 : i1
      %sub3A_228 = arith.constant 1 : i32
      %sub3A_229 = arith.subi %div3A_208, %sub3A_228 : i32
      %select_n3A_230 = arith.select %and3A_227, %sub3A_229, %div3A_208 : i32
      %mul3A_231 = arith.constant 16 : i32
      %mul3A_232 = arith.muli %add3A_206, %mul3A_231 : i32
      %add3A_233 = arith.addi %select_n3A_230, %mul3A_232 : i32
      %gt3A = arith.constant 0 : i32
      %gt3A_234 = arith.cmpi sgt, %while3A_202, %gt3A : i32
      %convert_element_type3A_235 = arith.extui %gt3A_234 : i1 to i32
      %cond3A_236 = arith.constant 0 : i32
      %cond3A_237 = arith.cmpi ne, %convert_element_type3A_235, %cond3A_236 : i32
      scf.if %cond3A_237 {
        %dma_wait3A_428 = arith.constant 0 : i32
        %dma_wait3A_429 = tpu.memref_slice %arg4[%add3A_233, %dma_wait3A_428] : memref<102400x128xi32, #tpu.memory_space<hbm>> -> memref<16x128xi32, #tpu.memory_space<hbm>>
        %dma_wait3A_430 = arith.constant 0 : i32
        %dma_wait3A_431 = tpu.memref_slice %arg4[%add3A_233, %dma_wait3A_430] : memref<102400x128xi32, #tpu.memory_space<hbm>> -> memref<16x128xi32, #tpu.memory_space<hbm>>
        tpu.wait_dma2 semaphore(%arg18 : memref<!tpu.dma_semaphore, #tpu.memory_space<semaphore_mem>>) src(%arg7 : memref<16x128xi32, #tpu.memory_space<vmem>>) dst(%dma_wait3A_431 : memref<16x128xi32, #tpu.memory_space<hbm>>)
      } else {
      }
      %mul3A_238 = arith.constant 2 : i32
      %mul3A_239 = arith.muli %add3A_206, %mul3A_238 : i32
      %mul3A_240 = arith.constant 128 : i32
      %mul3A_241 = arith.muli %mul3A_239, %mul3A_240 : i32
      %dma_wait3A_242 = tpu.memref_slice %arg5[%mul3A_241] : memref<90112xi32, #tpu.memory_space<vmem>> -> memref<256xi32, #tpu.memory_space<vmem>>
      %dma_wait3A_243 = arith.constant 0 : i32
      %dma_wait3A_244 = arith.constant 0 : i32
      %dma_wait3A_245 = tpu.memref_slice %arg2[%dma_wait3A_243, %dma_wait3A_244] : memref<50000x32xbf16, #tpu.memory_space<hbm>> -> memref<50000x32xbf16, #tpu.memory_space<hbm>>
      tpu.wait_indirect_dma semaphore(%arg14 : memref<!tpu.dma_semaphore, #tpu.memory_space<semaphore_mem>>) src(%dma_wait3A_245 : memref<50000x32xbf16, #tpu.memory_space<hbm>>) dst(%arg6 : memref<256x32xbf16, #tpu.memory_space<vmem>>)
      %parallel_loop3A = arith.constant 0 : i32
      %parallel_loop3A_246 = arith.constant 128 : i32
      %parallel_loop3A_247 = arith.constant 1 : i32
      scf.for %parallel_loop3A_428 = %parallel_loop3A to %parallel_loop3A_246 step %parallel_loop3A_247  : i32 {
        %parallel_loop3A_429 = arith.index_cast %parallel_loop3A_428 : i32 to index
        %parallel_loop3A_430 = arith.constant 0 : index
        %parallel_loop3A_431 = tpu.vector_load %arg6[%parallel_loop3A_429, %parallel_loop3A_430] {strides = array<i32>} : memref<256x32xbf16, #tpu.memory_space<vmem>>, vector<32xbf16>,
        %parallel_loop3A_432 = arith.constant 128 : i32
        %parallel_loop3A_433 = arith.addi %parallel_loop3A_432, %parallel_loop3A_428 : i32
        %parallel_loop3A_434 = arith.index_cast %parallel_loop3A_433 : i32 to index
        %parallel_loop3A_435 = arith.constant 0 : index
        %parallel_loop3A_436 = tpu.vector_load %arg6[%parallel_loop3A_434, %parallel_loop3A_435] {strides = array<i32>} : memref<256x32xbf16, #tpu.memory_space<vmem>>, vector<32xbf16>,
        %parallel_loop3A_437 = arith.mulf %parallel_loop3A_431, %parallel_loop3A_436 : vector<32xbf16>
        %parallel_loop3A_438 = vector.bitcast %parallel_loop3A_437 : vector<32xbf16> to vector<16xi32>
        %parallel_loop3A_439 = arith.constant 8 : i32
        %parallel_loop3A_440 = arith.divsi %parallel_loop3A_428, %parallel_loop3A_439 : i32
        %parallel_loop3A_441 = arith.constant 0 : i32
        %parallel_loop3A_442 = arith.cmpi sgt, %parallel_loop3A_428, %parallel_loop3A_441 : i32
        %parallel_loop3A_443 = arith.extui %parallel_loop3A_442 : i1 to i32
        %parallel_loop3A_444 = arith.constant 0 : i32
        %parallel_loop3A_445 = arith.cmpi slt, %parallel_loop3A_428, %parallel_loop3A_444 : i32
        %parallel_loop3A_446 = arith.extui %parallel_loop3A_445 : i1 to i32
        %parallel_loop3A_447 = arith.subi %parallel_loop3A_443, %parallel_loop3A_446 : i32
        %parallel_loop3A_448 = arith.constant 0 : i32
        %parallel_loop3A_449 = arith.cmpi sgt, %parallel_loop3A_439, %parallel_loop3A_448 : i32
        %parallel_loop3A_450 = arith.extui %parallel_loop3A_449 : i1 to i32
        %parallel_loop3A_451 = arith.constant 0 : i32
        %parallel_loop3A_452 = arith.cmpi slt, %parallel_loop3A_439, %parallel_loop3A_451 : i32
        %parallel_loop3A_453 = arith.extui %parallel_loop3A_452 : i1 to i32
        %parallel_loop3A_454 = arith.subi %parallel_loop3A_450, %parallel_loop3A_453 : i32
        %parallel_loop3A_455 = arith.cmpi ne, %parallel_loop3A_447, %parallel_loop3A_454 : i32
        %parallel_loop3A_456 = arith.remsi %parallel_loop3A_428, %parallel_loop3A_439 : i32
        %parallel_loop3A_457 = arith.constant 0 : i32
        %parallel_loop3A_458 = arith.cmpi ne, %parallel_loop3A_456, %parallel_loop3A_457 : i32
        %parallel_loop3A_459 = arith.andi %parallel_loop3A_455, %parallel_loop3A_458 : i1
        %parallel_loop3A_460 = arith.constant 1 : i32
        %parallel_loop3A_461 = arith.subi %parallel_loop3A_440, %parallel_loop3A_460 : i32
        %parallel_loop3A_462 = arith.select %parallel_loop3A_459, %parallel_loop3A_461, %parallel_loop3A_440 : i32
        %parallel_loop3A_463 = arith.constant 8 : i32
        %parallel_loop3A_464 = arith.constant 0 : i32
        %parallel_loop3A_465 = arith.cmpi eq, %parallel_loop3A_463, %parallel_loop3A_464 : i32
        %parallel_loop3A_466 = arith.constant 1 : i32
        %parallel_loop3A_467 = arith.select %parallel_loop3A_465, %parallel_loop3A_466, %parallel_loop3A_463 : i32
        %parallel_loop3A_468 = arith.remsi %parallel_loop3A_428, %parallel_loop3A_467 : i32
        %parallel_loop3A_469 = arith.constant 0 : i32
        %parallel_loop3A_470 = arith.cmpi ne, %parallel_loop3A_468, %parallel_loop3A_469 : i32
        %parallel_loop3A_471 = arith.constant 0 : i32
        %parallel_loop3A_472 = arith.cmpi slt, %parallel_loop3A_468, %parallel_loop3A_471 : i32
        %parallel_loop3A_473 = arith.constant 0 : i32
        %parallel_loop3A_474 = arith.cmpi slt, %parallel_loop3A_467, %parallel_loop3A_473 : i32
        %parallel_loop3A_475 = arith.xori %parallel_loop3A_472, %parallel_loop3A_474 : i1
        %parallel_loop3A_476 = arith.andi %parallel_loop3A_475, %parallel_loop3A_470 : i1
        %parallel_loop3A_477 = arith.addi %parallel_loop3A_468, %parallel_loop3A_467 : i32
        %parallel_loop3A_478 = arith.select %parallel_loop3A_476, %parallel_loop3A_477, %parallel_loop3A_468 : i32
        %parallel_loop3A_479 = arith.constant 16 : i32
        %parallel_loop3A_480 = arith.muli %parallel_loop3A_478, %parallel_loop3A_479 : i32
        %parallel_loop3A_481 = arith.index_cast %parallel_loop3A_462 : i32 to index
        %parallel_loop3A_482 = arith.index_cast %parallel_loop3A_480 : i32 to index
        %parallel_loop3A_483 = tpu.vector_load %arg7[%parallel_loop3A_481, %parallel_loop3A_482] {strides = array<i32>} : memref<16x128xi32, #tpu.memory_space<vmem>>, vector<16xi32>,
        tpu.vector_store %arg7[%parallel_loop3A_481, %parallel_loop3A_482], %parallel_loop3A_438 {strides = array<i32>} : memref<16x128xi32, #tpu.memory_space<vmem>>, vector<16xi32>,
      } {sc.loop_unroll_factor = 8 : i64, sc.parallel_access}
      %dma_start3A_248 = arith.constant 0 : i32
      %dma_start3A_249 = tpu.memref_slice %arg4[%add3A_233, %dma_start3A_248] : memref<102400x128xi32, #tpu.memory_space<hbm>> -> memref<16x128xi32, #tpu.memory_space<hbm>>
      %dma_start3A_250 = arith.constant 0 : i32
      %dma_start3A_251 = tpu.memref_slice %arg4[%add3A_233, %dma_start3A_250] : memref<102400x128xi32, #tpu.memory_space<hbm>> -> memref<16x128xi32, #tpu.memory_space<hbm>>
      tpu.enqueue_dma source(%arg7 : memref<16x128xi32, #tpu.memory_space<vmem>>) target(%dma_start3A_251 : memref<16x128xi32, #tpu.memory_space<hbm>>) target_semaphore(%arg18 : memref<!tpu.dma_semaphore, #tpu.memory_space<semaphore_mem>>)
      %add3A_252 = arith.constant 4 : i32
      %add3A_253 = arith.addi %add3A_206, %add3A_252 : i32
      %lt3A = arith.cmpi slt, %add3A_253, %select_n3A_8 : i32
      %convert_element_type3A_254 = arith.extui %lt3A : i1 to i32
      %cond3A_255 = arith.constant 0 : i32
      %cond3A_256 = arith.cmpi ne, %convert_element_type3A_254, %cond3A_255 : i32
      scf.if %cond3A_256 {
        %add3A_428 = arith.constant 4 : i32
        %add3A_429 = arith.addi %add3A_206, %add3A_428 : i32
        %mul3A_430 = arith.constant 2 : i32
        %mul3A_431 = arith.muli %add3A_429, %mul3A_430 : i32
        %mul3A_432 = arith.constant 128 : i32
        %mul3A_433 = arith.muli %mul3A_431, %mul3A_432 : i32
        %dma_start3A_434 = tpu.memref_slice %arg5[%mul3A_433] : memref<90112xi32, #tpu.memory_space<vmem>> -> memref<256xi32, #tpu.memory_space<vmem>>
        %dma_start3A_435 = arith.constant 0 : i32
        %dma_start3A_436 = arith.constant 0 : i32
        %dma_start3A_437 = tpu.memref_slice %arg2[%dma_start3A_435, %dma_start3A_436] : memref<50000x32xbf16, #tpu.memory_space<hbm>> -> memref<50000x32xbf16, #tpu.memory_space<hbm>>
        tpu.enqueue_indirect_dma source(%dma_start3A_437 : memref<50000x32xbf16, #tpu.memory_space<hbm>>) target(%arg6 : memref<256x32xbf16, #tpu.memory_space<vmem>>) offsets(%dma_start3A_434 : memref<256xi32, #tpu.memory_space<vmem>>) semaphore(%arg14 : memref<!tpu.dma_semaphore, #tpu.memory_space<semaphore_mem>>)
      } else {
      }
      %mul3A_257 = arith.constant 4 : i32
      %mul3A_258 = arith.muli %while3A_202, %mul3A_257 : i32
      %add3A_259 = arith.constant 1 : i32
      %add3A_260 = arith.addi %mul3A_258, %add3A_259 : i32
      %jit3A_261 = arith.constant 8 : i32
      %div3A_262 = arith.divsi %select_n3A, %jit3A_261 : i32
      %sign3A_263 = arith.constant 0 : i32
      %sign3A_264 = arith.cmpi sgt, %select_n3A, %sign3A_263 : i32
      %sign3A_265 = arith.extui %sign3A_264 : i1 to i32
      %sign3A_266 = arith.constant 0 : i32
      %sign3A_267 = arith.cmpi slt, %select_n3A, %sign3A_266 : i32
      %sign3A_268 = arith.extui %sign3A_267 : i1 to i32
      %sign3A_269 = arith.subi %sign3A_265, %sign3A_268 : i32
      %sign3A_270 = arith.constant 0 : i32
      %sign3A_271 = arith.cmpi sgt, %jit3A_261, %sign3A_270 : i32
      %sign3A_272 = arith.extui %sign3A_271 : i1 to i32
      %sign3A_273 = arith.constant 0 : i32
      %sign3A_274 = arith.cmpi slt, %jit3A_261, %sign3A_273 : i32
      %sign3A_275 = arith.extui %sign3A_274 : i1 to i32
      %sign3A_276 = arith.subi %sign3A_272, %sign3A_275 : i32
      %ne3A_277 = arith.cmpi ne, %sign3A_269, %sign3A_276 : i32
      %rem3A_278 = arith.remsi %select_n3A, %jit3A_261 : i32
      %ne3A_279 = arith.constant 0 : i32
      %ne3A_280 = arith.cmpi ne, %rem3A_278, %ne3A_279 : i32
      %and3A_281 = arith.andi %ne3A_277, %ne3A_280 : i1
      %sub3A_282 = arith.constant 1 : i32
      %sub3A_283 = arith.subi %div3A_262, %sub3A_282 : i32
      %select_n3A_284 = arith.select %and3A_281, %sub3A_283, %div3A_262 : i32
      %mul3A_285 = arith.constant 16 : i32
      %mul3A_286 = arith.muli %add3A_260, %mul3A_285 : i32
      %add3A_287 = arith.addi %select_n3A_284, %mul3A_286 : i32
      %gt3A_288 = arith.constant 0 : i32
      %gt3A_289 = arith.cmpi sgt, %while3A_202, %gt3A_288 : i32
      %convert_element_type3A_290 = arith.extui %gt3A_289 : i1 to i32
      %cond3A_291 = arith.constant 0 : i32
      %cond3A_292 = arith.cmpi ne, %convert_element_type3A_290, %cond3A_291 : i32
      scf.if %cond3A_292 {
        %dma_wait3A_428 = arith.constant 0 : i32
        %dma_wait3A_429 = tpu.memref_slice %arg4[%add3A_287, %dma_wait3A_428] : memref<102400x128xi32, #tpu.memory_space<hbm>> -> memref<16x128xi32, #tpu.memory_space<hbm>>
        %dma_wait3A_430 = arith.constant 0 : i32
        %dma_wait3A_431 = tpu.memref_slice %arg4[%add3A_287, %dma_wait3A_430] : memref<102400x128xi32, #tpu.memory_space<hbm>> -> memref<16x128xi32, #tpu.memory_space<hbm>>
        tpu.wait_dma2 semaphore(%arg19 : memref<!tpu.dma_semaphore, #tpu.memory_space<semaphore_mem>>) src(%arg9 : memref<16x128xi32, #tpu.memory_space<vmem>>) dst(%dma_wait3A_431 : memref<16x128xi32, #tpu.memory_space<hbm>>)
      } else {
      }
      %mul3A_293 = arith.constant 2 : i32
      %mul3A_294 = arith.muli %add3A_260, %mul3A_293 : i32
      %mul3A_295 = arith.constant 128 : i32
      %mul3A_296 = arith.muli %mul3A_294, %mul3A_295 : i32
      %dma_wait3A_297 = tpu.memref_slice %arg5[%mul3A_296] : memref<90112xi32, #tpu.memory_space<vmem>> -> memref<256xi32, #tpu.memory_space<vmem>>
      %dma_wait3A_298 = arith.constant 0 : i32
      %dma_wait3A_299 = arith.constant 0 : i32
      %dma_wait3A_300 = tpu.memref_slice %arg2[%dma_wait3A_298, %dma_wait3A_299] : memref<50000x32xbf16, #tpu.memory_space<hbm>> -> memref<50000x32xbf16, #tpu.memory_space<hbm>>
      tpu.wait_indirect_dma semaphore(%arg15 : memref<!tpu.dma_semaphore, #tpu.memory_space<semaphore_mem>>) src(%dma_wait3A_300 : memref<50000x32xbf16, #tpu.memory_space<hbm>>) dst(%arg8 : memref<256x32xbf16, #tpu.memory_space<vmem>>)
      %parallel_loop3A_301 = arith.constant 0 : i32
      %parallel_loop3A_302 = arith.constant 128 : i32
      %parallel_loop3A_303 = arith.constant 1 : i32
      scf.for %parallel_loop3A_428 = %parallel_loop3A_301 to %parallel_loop3A_302 step %parallel_loop3A_303  : i32 {
        %parallel_loop3A_429 = arith.index_cast %parallel_loop3A_428 : i32 to index
        %parallel_loop3A_430 = arith.constant 0 : index
        %parallel_loop3A_431 = tpu.vector_load %arg8[%parallel_loop3A_429, %parallel_loop3A_430] {strides = array<i32>} : memref<256x32xbf16, #tpu.memory_space<vmem>>, vector<32xbf16>,
        %parallel_loop3A_432 = arith.constant 128 : i32
        %parallel_loop3A_433 = arith.addi %parallel_loop3A_432, %parallel_loop3A_428 : i32
        %parallel_loop3A_434 = arith.index_cast %parallel_loop3A_433 : i32 to index
        %parallel_loop3A_435 = arith.constant 0 : index
        %parallel_loop3A_436 = tpu.vector_load %arg8[%parallel_loop3A_434, %parallel_loop3A_435] {strides = array<i32>} : memref<256x32xbf16, #tpu.memory_space<vmem>>, vector<32xbf16>,
        %parallel_loop3A_437 = arith.mulf %parallel_loop3A_431, %parallel_loop3A_436 : vector<32xbf16>
        %parallel_loop3A_438 = vector.bitcast %parallel_loop3A_437 : vector<32xbf16> to vector<16xi32>
        %parallel_loop3A_439 = arith.constant 8 : i32
        %parallel_loop3A_440 = arith.divsi %parallel_loop3A_428, %parallel_loop3A_439 : i32
        %parallel_loop3A_441 = arith.constant 0 : i32
        %parallel_loop3A_442 = arith.cmpi sgt, %parallel_loop3A_428, %parallel_loop3A_441 : i32
        %parallel_loop3A_443 = arith.extui %parallel_loop3A_442 : i1 to i32
        %parallel_loop3A_444 = arith.constant 0 : i32
        %parallel_loop3A_445 = arith.cmpi slt, %parallel_loop3A_428, %parallel_loop3A_444 : i32
        %parallel_loop3A_446 = arith.extui %parallel_loop3A_445 : i1 to i32
        %parallel_loop3A_447 = arith.subi %parallel_loop3A_443, %parallel_loop3A_446 : i32
        %parallel_loop3A_448 = arith.constant 0 : i32
        %parallel_loop3A_449 = arith.cmpi sgt, %parallel_loop3A_439, %parallel_loop3A_448 : i32
        %parallel_loop3A_450 = arith.extui %parallel_loop3A_449 : i1 to i32
        %parallel_loop3A_451 = arith.constant 0 : i32
        %parallel_loop3A_452 = arith.cmpi slt, %parallel_loop3A_439, %parallel_loop3A_451 : i32
        %parallel_loop3A_453 = arith.extui %parallel_loop3A_452 : i1 to i32
        %parallel_loop3A_454 = arith.subi %parallel_loop3A_450, %parallel_loop3A_453 : i32
        %parallel_loop3A_455 = arith.cmpi ne, %parallel_loop3A_447, %parallel_loop3A_454 : i32
        %parallel_loop3A_456 = arith.remsi %parallel_loop3A_428, %parallel_loop3A_439 : i32
        %parallel_loop3A_457 = arith.constant 0 : i32
        %parallel_loop3A_458 = arith.cmpi ne, %parallel_loop3A_456, %parallel_loop3A_457 : i32
        %parallel_loop3A_459 = arith.andi %parallel_loop3A_455, %parallel_loop3A_458 : i1
        %parallel_loop3A_460 = arith.constant 1 : i32
        %parallel_loop3A_461 = arith.subi %parallel_loop3A_440, %parallel_loop3A_460 : i32
        %parallel_loop3A_462 = arith.select %parallel_loop3A_459, %parallel_loop3A_461, %parallel_loop3A_440 : i32
        %parallel_loop3A_463 = arith.constant 8 : i32
        %parallel_loop3A_464 = arith.constant 0 : i32
        %parallel_loop3A_465 = arith.cmpi eq, %parallel_loop3A_463, %parallel_loop3A_464 : i32
        %parallel_loop3A_466 = arith.constant 1 : i32
        %parallel_loop3A_467 = arith.select %parallel_loop3A_465, %parallel_loop3A_466, %parallel_loop3A_463 : i32
        %parallel_loop3A_468 = arith.remsi %parallel_loop3A_428, %parallel_loop3A_467 : i32
        %parallel_loop3A_469 = arith.constant 0 : i32
        %parallel_loop3A_470 = arith.cmpi ne, %parallel_loop3A_468, %parallel_loop3A_469 : i32
        %parallel_loop3A_471 = arith.constant 0 : i32
        %parallel_loop3A_472 = arith.cmpi slt, %parallel_loop3A_468, %parallel_loop3A_471 : i32
        %parallel_loop3A_473 = arith.constant 0 : i32
        %parallel_loop3A_474 = arith.cmpi slt, %parallel_loop3A_467, %parallel_loop3A_473 : i32
        %parallel_loop3A_475 = arith.xori %parallel_loop3A_472, %parallel_loop3A_474 : i1
        %parallel_loop3A_476 = arith.andi %parallel_loop3A_475, %parallel_loop3A_470 : i1
        %parallel_loop3A_477 = arith.addi %parallel_loop3A_468, %parallel_loop3A_467 : i32
        %parallel_loop3A_478 = arith.select %parallel_loop3A_476, %parallel_loop3A_477, %parallel_loop3A_468 : i32
        %parallel_loop3A_479 = arith.constant 16 : i32
        %parallel_loop3A_480 = arith.muli %parallel_loop3A_478, %parallel_loop3A_479 : i32
        %parallel_loop3A_481 = arith.index_cast %parallel_loop3A_462 : i32 to index
        %parallel_loop3A_482 = arith.index_cast %parallel_loop3A_480 : i32 to index
        %parallel_loop3A_483 = tpu.vector_load %arg9[%parallel_loop3A_481, %parallel_loop3A_482] {strides = array<i32>} : memref<16x128xi32, #tpu.memory_space<vmem>>, vector<16xi32>,
        tpu.vector_store %arg9[%parallel_loop3A_481, %parallel_loop3A_482], %parallel_loop3A_438 {strides = array<i32>} : memref<16x128xi32, #tpu.memory_space<vmem>>, vector<16xi32>,
      } {sc.loop_unroll_factor = 8 : i64, sc.parallel_access}
      %dma_start3A_304 = arith.constant 0 : i32
      %dma_start3A_305 = tpu.memref_slice %arg4[%add3A_287, %dma_start3A_304] : memref<102400x128xi32, #tpu.memory_space<hbm>> -> memref<16x128xi32, #tpu.memory_space<hbm>>
      %dma_start3A_306 = arith.constant 0 : i32
      %dma_start3A_307 = tpu.memref_slice %arg4[%add3A_287, %dma_start3A_306] : memref<102400x128xi32, #tpu.memory_space<hbm>> -> memref<16x128xi32, #tpu.memory_space<hbm>>
      tpu.enqueue_dma source(%arg9 : memref<16x128xi32, #tpu.memory_space<vmem>>) target(%dma_start3A_307 : memref<16x128xi32, #tpu.memory_space<hbm>>) target_semaphore(%arg19 : memref<!tpu.dma_semaphore, #tpu.memory_space<semaphore_mem>>)
      %add3A_308 = arith.constant 4 : i32
      %add3A_309 = arith.addi %add3A_260, %add3A_308 : i32
      %lt3A_310 = arith.cmpi slt, %add3A_309, %select_n3A_8 : i32
      %convert_element_type3A_311 = arith.extui %lt3A_310 : i1 to i32
      %cond3A_312 = arith.constant 0 : i32
      %cond3A_313 = arith.cmpi ne, %convert_element_type3A_311, %cond3A_312 : i32
      scf.if %cond3A_313 {
        %add3A_428 = arith.constant 4 : i32
        %add3A_429 = arith.addi %add3A_260, %add3A_428 : i32
        %mul3A_430 = arith.constant 2 : i32
        %mul3A_431 = arith.muli %add3A_429, %mul3A_430 : i32
        %mul3A_432 = arith.constant 128 : i32
        %mul3A_433 = arith.muli %mul3A_431, %mul3A_432 : i32
        %dma_start3A_434 = tpu.memref_slice %arg5[%mul3A_433] : memref<90112xi32, #tpu.memory_space<vmem>> -> memref<256xi32, #tpu.memory_space<vmem>>
        %dma_start3A_435 = arith.constant 0 : i32
        %dma_start3A_436 = arith.constant 0 : i32
        %dma_start3A_437 = tpu.memref_slice %arg2[%dma_start3A_435, %dma_start3A_436] : memref<50000x32xbf16, #tpu.memory_space<hbm>> -> memref<50000x32xbf16, #tpu.memory_space<hbm>>
        tpu.enqueue_indirect_dma source(%dma_start3A_437 : memref<50000x32xbf16, #tpu.memory_space<hbm>>) target(%arg8 : memref<256x32xbf16, #tpu.memory_space<vmem>>) offsets(%dma_start3A_434 : memref<256xi32, #tpu.memory_space<vmem>>) semaphore(%arg15 : memref<!tpu.dma_semaphore, #tpu.memory_space<semaphore_mem>>)
      } else {
      }
      %mul3A_314 = arith.constant 4 : i32
      %mul3A_315 = arith.muli %while3A_202, %mul3A_314 : i32
      %add3A_316 = arith.constant 2 : i32
      %add3A_317 = arith.addi %mul3A_315, %add3A_316 : i32
      %jit3A_318 = arith.constant 8 : i32
      %div3A_319 = arith.divsi %select_n3A, %jit3A_318 : i32
      %sign3A_320 = arith.constant 0 : i32
      %sign3A_321 = arith.cmpi sgt, %select_n3A, %sign3A_320 : i32
      %sign3A_322 = arith.extui %sign3A_321 : i1 to i32
      %sign3A_323 = arith.constant 0 : i32
      %sign3A_324 = arith.cmpi slt, %select_n3A, %sign3A_323 : i32
      %sign3A_325 = arith.extui %sign3A_324 : i1 to i32
      %sign3A_326 = arith.subi %sign3A_322, %sign3A_325 : i32
      %sign3A_327 = arith.constant 0 : i32
      %sign3A_328 = arith.cmpi sgt, %jit3A_318, %sign3A_327 : i32
      %sign3A_329 = arith.extui %sign3A_328 : i1 to i32
      %sign3A_330 = arith.constant 0 : i32
      %sign3A_331 = arith.cmpi slt, %jit3A_318, %sign3A_330 : i32
      %sign3A_332 = arith.extui %sign3A_331 : i1 to i32
      %sign3A_333 = arith.subi %sign3A_329, %sign3A_332 : i32
      %ne3A_334 = arith.cmpi ne, %sign3A_326, %sign3A_333 : i32
      %rem3A_335 = arith.remsi %select_n3A, %jit3A_318 : i32
      %ne3A_336 = arith.constant 0 : i32
      %ne3A_337 = arith.cmpi ne, %rem3A_335, %ne3A_336 : i32
      %and3A_338 = arith.andi %ne3A_334, %ne3A_337 : i1
      %sub3A_339 = arith.constant 1 : i32
      %sub3A_340 = arith.subi %div3A_319, %sub3A_339 : i32
      %select_n3A_341 = arith.select %and3A_338, %sub3A_340, %div3A_319 : i32
      %mul3A_342 = arith.constant 16 : i32
      %mul3A_343 = arith.muli %add3A_317, %mul3A_342 : i32
      %add3A_344 = arith.addi %select_n3A_341, %mul3A_343 : i32
      %gt3A_345 = arith.constant 0 : i32
      %gt3A_346 = arith.cmpi sgt, %while3A_202, %gt3A_345 : i32
      %convert_element_type3A_347 = arith.extui %gt3A_346 : i1 to i32
      %cond3A_348 = arith.constant 0 : i32
      %cond3A_349 = arith.cmpi ne, %convert_element_type3A_347, %cond3A_348 : i32
      scf.if %cond3A_349 {
        %dma_wait3A_428 = arith.constant 0 : i32
        %dma_wait3A_429 = tpu.memref_slice %arg4[%add3A_344, %dma_wait3A_428] : memref<102400x128xi32, #tpu.memory_space<hbm>> -> memref<16x128xi32, #tpu.memory_space<hbm>>
        %dma_wait3A_430 = arith.constant 0 : i32
        %dma_wait3A_431 = tpu.memref_slice %arg4[%add3A_344, %dma_wait3A_430] : memref<102400x128xi32, #tpu.memory_space<hbm>> -> memref<16x128xi32, #tpu.memory_space<hbm>>
        tpu.wait_dma2 semaphore(%arg20 : memref<!tpu.dma_semaphore, #tpu.memory_space<semaphore_mem>>) src(%arg11 : memref<16x128xi32, #tpu.memory_space<vmem>>) dst(%dma_wait3A_431 : memref<16x128xi32, #tpu.memory_space<hbm>>)
      } else {
      }
      %mul3A_350 = arith.constant 2 : i32
      %mul3A_351 = arith.muli %add3A_317, %mul3A_350 : i32
      %mul3A_352 = arith.constant 128 : i32
      %mul3A_353 = arith.muli %mul3A_351, %mul3A_352 : i32
      %dma_wait3A_354 = tpu.memref_slice %arg5[%mul3A_353] : memref<90112xi32, #tpu.memory_space<vmem>> -> memref<256xi32, #tpu.memory_space<vmem>>
      %dma_wait3A_355 = arith.constant 0 : i32
      %dma_wait3A_356 = arith.constant 0 : i32
      %dma_wait3A_357 = tpu.memref_slice %arg2[%dma_wait3A_355, %dma_wait3A_356] : memref<50000x32xbf16, #tpu.memory_space<hbm>> -> memref<50000x32xbf16, #tpu.memory_space<hbm>>
      tpu.wait_indirect_dma semaphore(%arg16 : memref<!tpu.dma_semaphore, #tpu.memory_space<semaphore_mem>>) src(%dma_wait3A_357 : memref<50000x32xbf16, #tpu.memory_space<hbm>>) dst(%arg10 : memref<256x32xbf16, #tpu.memory_space<vmem>>)
      %parallel_loop3A_358 = arith.constant 0 : i32
      %parallel_loop3A_359 = arith.constant 128 : i32
      %parallel_loop3A_360 = arith.constant 1 : i32
      scf.for %parallel_loop3A_428 = %parallel_loop3A_358 to %parallel_loop3A_359 step %parallel_loop3A_360  : i32 {
        %parallel_loop3A_429 = arith.index_cast %parallel_loop3A_428 : i32 to index
        %parallel_loop3A_430 = arith.constant 0 : index
        %parallel_loop3A_431 = tpu.vector_load %arg10[%parallel_loop3A_429, %parallel_loop3A_430] {strides = array<i32>} : memref<256x32xbf16, #tpu.memory_space<vmem>>, vector<32xbf16>,
        %parallel_loop3A_432 = arith.constant 128 : i32
        %parallel_loop3A_433 = arith.addi %parallel_loop3A_432, %parallel_loop3A_428 : i32
        %parallel_loop3A_434 = arith.index_cast %parallel_loop3A_433 : i32 to index
        %parallel_loop3A_435 = arith.constant 0 : index
        %parallel_loop3A_436 = tpu.vector_load %arg10[%parallel_loop3A_434, %parallel_loop3A_435] {strides = array<i32>} : memref<256x32xbf16, #tpu.memory_space<vmem>>, vector<32xbf16>,
        %parallel_loop3A_437 = arith.mulf %parallel_loop3A_431, %parallel_loop3A_436 : vector<32xbf16>
        %parallel_loop3A_438 = vector.bitcast %parallel_loop3A_437 : vector<32xbf16> to vector<16xi32>
        %parallel_loop3A_439 = arith.constant 8 : i32
        %parallel_loop3A_440 = arith.divsi %parallel_loop3A_428, %parallel_loop3A_439 : i32
        %parallel_loop3A_441 = arith.constant 0 : i32
        %parallel_loop3A_442 = arith.cmpi sgt, %parallel_loop3A_428, %parallel_loop3A_441 : i32
        %parallel_loop3A_443 = arith.extui %parallel_loop3A_442 : i1 to i32
        %parallel_loop3A_444 = arith.constant 0 : i32
        %parallel_loop3A_445 = arith.cmpi slt, %parallel_loop3A_428, %parallel_loop3A_444 : i32
        %parallel_loop3A_446 = arith.extui %parallel_loop3A_445 : i1 to i32
        %parallel_loop3A_447 = arith.subi %parallel_loop3A_443, %parallel_loop3A_446 : i32
        %parallel_loop3A_448 = arith.constant 0 : i32
        %parallel_loop3A_449 = arith.cmpi sgt, %parallel_loop3A_439, %parallel_loop3A_448 : i32
        %parallel_loop3A_450 = arith.extui %parallel_loop3A_449 : i1 to i32
        %parallel_loop3A_451 = arith.constant 0 : i32
        %parallel_loop3A_452 = arith.cmpi slt, %parallel_loop3A_439, %parallel_loop3A_451 : i32
        %parallel_loop3A_453 = arith.extui %parallel_loop3A_452 : i1 to i32
        %parallel_loop3A_454 = arith.subi %parallel_loop3A_450, %parallel_loop3A_453 : i32
        %parallel_loop3A_455 = arith.cmpi ne, %parallel_loop3A_447, %parallel_loop3A_454 : i32
        %parallel_loop3A_456 = arith.remsi %parallel_loop3A_428, %parallel_loop3A_439 : i32
        %parallel_loop3A_457 = arith.constant 0 : i32
        %parallel_loop3A_458 = arith.cmpi ne, %parallel_loop3A_456, %parallel_loop3A_457 : i32
        %parallel_loop3A_459 = arith.andi %parallel_loop3A_455, %parallel_loop3A_458 : i1
        %parallel_loop3A_460 = arith.constant 1 : i32
        %parallel_loop3A_461 = arith.subi %parallel_loop3A_440, %parallel_loop3A_460 : i32
        %parallel_loop3A_462 = arith.select %parallel_loop3A_459, %parallel_loop3A_461, %parallel_loop3A_440 : i32
        %parallel_loop3A_463 = arith.constant 8 : i32
        %parallel_loop3A_464 = arith.constant 0 : i32
        %parallel_loop3A_465 = arith.cmpi eq, %parallel_loop3A_463, %parallel_loop3A_464 : i32
        %parallel_loop3A_466 = arith.constant 1 : i32
        %parallel_loop3A_467 = arith.select %parallel_loop3A_465, %parallel_loop3A_466, %parallel_loop3A_463 : i32
        %parallel_loop3A_468 = arith.remsi %parallel_loop3A_428, %parallel_loop3A_467 : i32
        %parallel_loop3A_469 = arith.constant 0 : i32
        %parallel_loop3A_470 = arith.cmpi ne, %parallel_loop3A_468, %parallel_loop3A_469 : i32
        %parallel_loop3A_471 = arith.constant 0 : i32
        %parallel_loop3A_472 = arith.cmpi slt, %parallel_loop3A_468, %parallel_loop3A_471 : i32
        %parallel_loop3A_473 = arith.constant 0 : i32
        %parallel_loop3A_474 = arith.cmpi slt, %parallel_loop3A_467, %parallel_loop3A_473 : i32
        %parallel_loop3A_475 = arith.xori %parallel_loop3A_472, %parallel_loop3A_474 : i1
        %parallel_loop3A_476 = arith.andi %parallel_loop3A_475, %parallel_loop3A_470 : i1
        %parallel_loop3A_477 = arith.addi %parallel_loop3A_468, %parallel_loop3A_467 : i32
        %parallel_loop3A_478 = arith.select %parallel_loop3A_476, %parallel_loop3A_477, %parallel_loop3A_468 : i32
        %parallel_loop3A_479 = arith.constant 16 : i32
        %parallel_loop3A_480 = arith.muli %parallel_loop3A_478, %parallel_loop3A_479 : i32
        %parallel_loop3A_481 = arith.index_cast %parallel_loop3A_462 : i32 to index
        %parallel_loop3A_482 = arith.index_cast %parallel_loop3A_480 : i32 to index
        %parallel_loop3A_483 = tpu.vector_load %arg11[%parallel_loop3A_481, %parallel_loop3A_482] {strides = array<i32>} : memref<16x128xi32, #tpu.memory_space<vmem>>, vector<16xi32>,
        tpu.vector_store %arg11[%parallel_loop3A_481, %parallel_loop3A_482], %parallel_loop3A_438 {strides = array<i32>} : memref<16x128xi32, #tpu.memory_space<vmem>>, vector<16xi32>,
      } {sc.loop_unroll_factor = 8 : i64, sc.parallel_access}
      %dma_start3A_361 = arith.constant 0 : i32
      %dma_start3A_362 = tpu.memref_slice %arg4[%add3A_344, %dma_start3A_361] : memref<102400x128xi32, #tpu.memory_space<hbm>> -> memref<16x128xi32, #tpu.memory_space<hbm>>
      %dma_start3A_363 = arith.constant 0 : i32
      %dma_start3A_364 = tpu.memref_slice %arg4[%add3A_344, %dma_start3A_363] : memref<102400x128xi32, #tpu.memory_space<hbm>> -> memref<16x128xi32, #tpu.memory_space<hbm>>
      tpu.enqueue_dma source(%arg11 : memref<16x128xi32, #tpu.memory_space<vmem>>) target(%dma_start3A_364 : memref<16x128xi32, #tpu.memory_space<hbm>>) target_semaphore(%arg20 : memref<!tpu.dma_semaphore, #tpu.memory_space<semaphore_mem>>)
      %add3A_365 = arith.constant 4 : i32
      %add3A_366 = arith.addi %add3A_317, %add3A_365 : i32
      %lt3A_367 = arith.cmpi slt, %add3A_366, %select_n3A_8 : i32
      %convert_element_type3A_368 = arith.extui %lt3A_367 : i1 to i32
      %cond3A_369 = arith.constant 0 : i32
      %cond3A_370 = arith.cmpi ne, %convert_element_type3A_368, %cond3A_369 : i32
      scf.if %cond3A_370 {
        %add3A_428 = arith.constant 4 : i32
        %add3A_429 = arith.addi %add3A_317, %add3A_428 : i32
        %mul3A_430 = arith.constant 2 : i32
        %mul3A_431 = arith.muli %add3A_429, %mul3A_430 : i32
        %mul3A_432 = arith.constant 128 : i32
        %mul3A_433 = arith.muli %mul3A_431, %mul3A_432 : i32
        %dma_start3A_434 = tpu.memref_slice %arg5[%mul3A_433] : memref<90112xi32, #tpu.memory_space<vmem>> -> memref<256xi32, #tpu.memory_space<vmem>>
        %dma_start3A_435 = arith.constant 0 : i32
        %dma_start3A_436 = arith.constant 0 : i32
        %dma_start3A_437 = tpu.memref_slice %arg2[%dma_start3A_435, %dma_start3A_436] : memref<50000x32xbf16, #tpu.memory_space<hbm>> -> memref<50000x32xbf16, #tpu.memory_space<hbm>>
        tpu.enqueue_indirect_dma source(%dma_start3A_437 : memref<50000x32xbf16, #tpu.memory_space<hbm>>) target(%arg10 : memref<256x32xbf16, #tpu.memory_space<vmem>>) offsets(%dma_start3A_434 : memref<256xi32, #tpu.memory_space<vmem>>) semaphore(%arg16 : memref<!tpu.dma_semaphore, #tpu.memory_space<semaphore_mem>>)
      } else {
      }
      %mul3A_371 = arith.constant 4 : i32
      %mul3A_372 = arith.muli %while3A_202, %mul3A_371 : i32
      %add3A_373 = arith.constant 3 : i32
      %add3A_374 = arith.addi %mul3A_372, %add3A_373 : i32
      %jit3A_375 = arith.constant 8 : i32
      %div3A_376 = arith.divsi %select_n3A, %jit3A_375 : i32
      %sign3A_377 = arith.constant 0 : i32
      %sign3A_378 = arith.cmpi sgt, %select_n3A, %sign3A_377 : i32
      %sign3A_379 = arith.extui %sign3A_378 : i1 to i32
      %sign3A_380 = arith.constant 0 : i32
      %sign3A_381 = arith.cmpi slt, %select_n3A, %sign3A_380 : i32
      %sign3A_382 = arith.extui %sign3A_381 : i1 to i32
      %sign3A_383 = arith.subi %sign3A_379, %sign3A_382 : i32
      %sign3A_384 = arith.constant 0 : i32
      %sign3A_385 = arith.cmpi sgt, %jit3A_375, %sign3A_384 : i32
      %sign3A_386 = arith.extui %sign3A_385 : i1 to i32
      %sign3A_387 = arith.constant 0 : i32
      %sign3A_388 = arith.cmpi slt, %jit3A_375, %sign3A_387 : i32
      %sign3A_389 = arith.extui %sign3A_388 : i1 to i32
      %sign3A_390 = arith.subi %sign3A_386, %sign3A_389 : i32
      %ne3A_391 = arith.cmpi ne, %sign3A_383, %sign3A_390 : i32
      %rem3A_392 = arith.remsi %select_n3A, %jit3A_375 : i32
      %ne3A_393 = arith.constant 0 : i32
      %ne3A_394 = arith.cmpi ne, %rem3A_392, %ne3A_393 : i32
      %and3A_395 = arith.andi %ne3A_391, %ne3A_394 : i1
      %sub3A_396 = arith.constant 1 : i32
      %sub3A_397 = arith.subi %div3A_376, %sub3A_396 : i32
      %select_n3A_398 = arith.select %and3A_395, %sub3A_397, %div3A_376 : i32
      %mul3A_399 = arith.constant 16 : i32
      %mul3A_400 = arith.muli %add3A_374, %mul3A_399 : i32
      %add3A_401 = arith.addi %select_n3A_398, %mul3A_400 : i32
      %gt3A_402 = arith.constant 0 : i32
      %gt3A_403 = arith.cmpi sgt, %while3A_202, %gt3A_402 : i32
      %convert_element_type3A_404 = arith.extui %gt3A_403 : i1 to i32
      %cond3A_405 = arith.constant 0 : i32
      %cond3A_406 = arith.cmpi ne, %convert_element_type3A_404, %cond3A_405 : i32
      scf.if %cond3A_406 {
        %dma_wait3A_428 = arith.constant 0 : i32
        %dma_wait3A_429 = tpu.memref_slice %arg4[%add3A_401, %dma_wait3A_428] : memref<102400x128xi32, #tpu.memory_space<hbm>> -> memref<16x128xi32, #tpu.memory_space<hbm>>
        %dma_wait3A_430 = arith.constant 0 : i32
        %dma_wait3A_431 = tpu.memref_slice %arg4[%add3A_401, %dma_wait3A_430] : memref<102400x128xi32, #tpu.memory_space<hbm>> -> memref<16x128xi32, #tpu.memory_space<hbm>>
        tpu.wait_dma2 semaphore(%arg21 : memref<!tpu.dma_semaphore, #tpu.memory_space<semaphore_mem>>) src(%arg13 : memref<16x128xi32, #tpu.memory_space<vmem>>) dst(%dma_wait3A_431 : memref<16x128xi32, #tpu.memory_space<hbm>>)
      } else {
      }
      %mul3A_407 = arith.constant 2 : i32
      %mul3A_408 = arith.muli %add3A_374, %mul3A_407 : i32
      %mul3A_409 = arith.constant 128 : i32
      %mul3A_410 = arith.muli %mul3A_408, %mul3A_409 : i32
      %dma_wait3A_411 = tpu.memref_slice %arg5[%mul3A_410] : memref<90112xi32, #tpu.memory_space<vmem>> -> memref<256xi32, #tpu.memory_space<vmem>>
      %dma_wait3A_412 = arith.constant 0 : i32
      %dma_wait3A_413 = arith.constant 0 : i32
      %dma_wait3A_414 = tpu.memref_slice %arg2[%dma_wait3A_412, %dma_wait3A_413] : memref<50000x32xbf16, #tpu.memory_space<hbm>> -> memref<50000x32xbf16, #tpu.memory_space<hbm>>
      tpu.wait_indirect_dma semaphore(%arg17 : memref<!tpu.dma_semaphore, #tpu.memory_space<semaphore_mem>>) src(%dma_wait3A_414 : memref<50000x32xbf16, #tpu.memory_space<hbm>>) dst(%arg12 : memref<256x32xbf16, #tpu.memory_space<vmem>>)
      %parallel_loop3A_415 = arith.constant 0 : i32
      %parallel_loop3A_416 = arith.constant 128 : i32
      %parallel_loop3A_417 = arith.constant 1 : i32
      scf.for %parallel_loop3A_428 = %parallel_loop3A_415 to %parallel_loop3A_416 step %parallel_loop3A_417  : i32 {
        %parallel_loop3A_429 = arith.index_cast %parallel_loop3A_428 : i32 to index
        %parallel_loop3A_430 = arith.constant 0 : index
        %parallel_loop3A_431 = tpu.vector_load %arg12[%parallel_loop3A_429, %parallel_loop3A_430] {strides = array<i32>} : memref<256x32xbf16, #tpu.memory_space<vmem>>, vector<32xbf16>,
        %parallel_loop3A_432 = arith.constant 128 : i32
        %parallel_loop3A_433 = arith.addi %parallel_loop3A_432, %parallel_loop3A_428 : i32
        %parallel_loop3A_434 = arith.index_cast %parallel_loop3A_433 : i32 to index
        %parallel_loop3A_435 = arith.constant 0 : index
        %parallel_loop3A_436 = tpu.vector_load %arg12[%parallel_loop3A_434, %parallel_loop3A_435] {strides = array<i32>} : memref<256x32xbf16, #tpu.memory_space<vmem>>, vector<32xbf16>,
        %parallel_loop3A_437 = arith.mulf %parallel_loop3A_431, %parallel_loop3A_436 : vector<32xbf16>
        %parallel_loop3A_438 = vector.bitcast %parallel_loop3A_437 : vector<32xbf16> to vector<16xi32>
        %parallel_loop3A_439 = arith.constant 8 : i32
        %parallel_loop3A_440 = arith.divsi %parallel_loop3A_428, %parallel_loop3A_439 : i32
        %parallel_loop3A_441 = arith.constant 0 : i32
        %parallel_loop3A_442 = arith.cmpi sgt, %parallel_loop3A_428, %parallel_loop3A_441 : i32
        %parallel_loop3A_443 = arith.extui %parallel_loop3A_442 : i1 to i32
        %parallel_loop3A_444 = arith.constant 0 : i32
        %parallel_loop3A_445 = arith.cmpi slt, %parallel_loop3A_428, %parallel_loop3A_444 : i32
        %parallel_loop3A_446 = arith.extui %parallel_loop3A_445 : i1 to i32
        %parallel_loop3A_447 = arith.subi %parallel_loop3A_443, %parallel_loop3A_446 : i32
        %parallel_loop3A_448 = arith.constant 0 : i32
        %parallel_loop3A_449 = arith.cmpi sgt, %parallel_loop3A_439, %parallel_loop3A_448 : i32
        %parallel_loop3A_450 = arith.extui %parallel_loop3A_449 : i1 to i32
        %parallel_loop3A_451 = arith.constant 0 : i32
        %parallel_loop3A_452 = arith.cmpi slt, %parallel_loop3A_439, %parallel_loop3A_451 : i32
        %parallel_loop3A_453 = arith.extui %parallel_loop3A_452 : i1 to i32
        %parallel_loop3A_454 = arith.subi %parallel_loop3A_450, %parallel_loop3A_453 : i32
        %parallel_loop3A_455 = arith.cmpi ne, %parallel_loop3A_447, %parallel_loop3A_454 : i32
        %parallel_loop3A_456 = arith.remsi %parallel_loop3A_428, %parallel_loop3A_439 : i32
        %parallel_loop3A_457 = arith.constant 0 : i32
        %parallel_loop3A_458 = arith.cmpi ne, %parallel_loop3A_456, %parallel_loop3A_457 : i32
        %parallel_loop3A_459 = arith.andi %parallel_loop3A_455, %parallel_loop3A_458 : i1
        %parallel_loop3A_460 = arith.constant 1 : i32
        %parallel_loop3A_461 = arith.subi %parallel_loop3A_440, %parallel_loop3A_460 : i32
        %parallel_loop3A_462 = arith.select %parallel_loop3A_459, %parallel_loop3A_461, %parallel_loop3A_440 : i32
        %parallel_loop3A_463 = arith.constant 8 : i32
        %parallel_loop3A_464 = arith.constant 0 : i32
        %parallel_loop3A_465 = arith.cmpi eq, %parallel_loop3A_463, %parallel_loop3A_464 : i32
        %parallel_loop3A_466 = arith.constant 1 : i32
        %parallel_loop3A_467 = arith.select %parallel_loop3A_465, %parallel_loop3A_466, %parallel_loop3A_463 : i32
        %parallel_loop3A_468 = arith.remsi %parallel_loop3A_428, %parallel_loop3A_467 : i32
        %parallel_loop3A_469 = arith.constant 0 : i32
        %parallel_loop3A_470 = arith.cmpi ne, %parallel_loop3A_468, %parallel_loop3A_469 : i32
        %parallel_loop3A_471 = arith.constant 0 : i32
        %parallel_loop3A_472 = arith.cmpi slt, %parallel_loop3A_468, %parallel_loop3A_471 : i32
        %parallel_loop3A_473 = arith.constant 0 : i32
        %parallel_loop3A_474 = arith.cmpi slt, %parallel_loop3A_467, %parallel_loop3A_473 : i32
        %parallel_loop3A_475 = arith.xori %parallel_loop3A_472, %parallel_loop3A_474 : i1
        %parallel_loop3A_476 = arith.andi %parallel_loop3A_475, %parallel_loop3A_470 : i1
        %parallel_loop3A_477 = arith.addi %parallel_loop3A_468, %parallel_loop3A_467 : i32
        %parallel_loop3A_478 = arith.select %parallel_loop3A_476, %parallel_loop3A_477, %parallel_loop3A_468 : i32
        %parallel_loop3A_479 = arith.constant 16 : i32
        %parallel_loop3A_480 = arith.muli %parallel_loop3A_478, %parallel_loop3A_479 : i32
        %parallel_loop3A_481 = arith.index_cast %parallel_loop3A_462 : i32 to index
        %parallel_loop3A_482 = arith.index_cast %parallel_loop3A_480 : i32 to index
        %parallel_loop3A_483 = tpu.vector_load %arg13[%parallel_loop3A_481, %parallel_loop3A_482] {strides = array<i32>} : memref<16x128xi32, #tpu.memory_space<vmem>>, vector<16xi32>,
        tpu.vector_store %arg13[%parallel_loop3A_481, %parallel_loop3A_482], %parallel_loop3A_438 {strides = array<i32>} : memref<16x128xi32, #tpu.memory_space<vmem>>, vector<16xi32>,
      } {sc.loop_unroll_factor = 8 : i64, sc.parallel_access}
      %dma_start3A_418 = arith.constant 0 : i32
      %dma_start3A_419 = tpu.memref_slice %arg4[%add3A_401, %dma_start3A_418] : memref<102400x128xi32, #tpu.memory_space<hbm>> -> memref<16x128xi32, #tpu.memory_space<hbm>>
      %dma_start3A_420 = arith.constant 0 : i32
      %dma_start3A_421 = tpu.memref_slice %arg4[%add3A_401, %dma_start3A_420] : memref<102400x128xi32, #tpu.memory_space<hbm>> -> memref<16x128xi32, #tpu.memory_space<hbm>>
      tpu.enqueue_dma source(%arg13 : memref<16x128xi32, #tpu.memory_space<vmem>>) target(%dma_start3A_421 : memref<16x128xi32, #tpu.memory_space<hbm>>) target_semaphore(%arg21 : memref<!tpu.dma_semaphore, #tpu.memory_space<semaphore_mem>>)
      %add3A_422 = arith.constant 4 : i32
      %add3A_423 = arith.addi %add3A_374, %add3A_422 : i32
      %lt3A_424 = arith.cmpi slt, %add3A_423, %select_n3A_8 : i32
      %convert_element_type3A_425 = arith.extui %lt3A_424 : i1 to i32
      %cond3A_426 = arith.constant 0 : i32
      %cond3A_427 = arith.cmpi ne, %convert_element_type3A_425, %cond3A_426 : i32
      scf.if %cond3A_427 {
        %add3A_428 = arith.constant 4 : i32
        %add3A_429 = arith.addi %add3A_374, %add3A_428 : i32
        %mul3A_430 = arith.constant 2 : i32
        %mul3A_431 = arith.muli %add3A_429, %mul3A_430 : i32
        %mul3A_432 = arith.constant 128 : i32
        %mul3A_433 = arith.muli %mul3A_431, %mul3A_432 : i32
        %dma_start3A_434 = tpu.memref_slice %arg5[%mul3A_433] : memref<90112xi32, #tpu.memory_space<vmem>> -> memref<256xi32, #tpu.memory_space<vmem>>
        %dma_start3A_435 = arith.constant 0 : i32
        %dma_start3A_436 = arith.constant 0 : i32
        %dma_start3A_437 = tpu.memref_slice %arg2[%dma_start3A_435, %dma_start3A_436] : memref<50000x32xbf16, #tpu.memory_space<hbm>> -> memref<50000x32xbf16, #tpu.memory_space<hbm>>
        tpu.enqueue_indirect_dma source(%dma_start3A_437 : memref<50000x32xbf16, #tpu.memory_space<hbm>>) target(%arg12 : memref<256x32xbf16, #tpu.memory_space<vmem>>) offsets(%dma_start3A_434 : memref<256xi32, #tpu.memory_space<vmem>>) semaphore(%arg17 : memref<!tpu.dma_semaphore, #tpu.memory_space<semaphore_mem>>)
      } else {
      }
    }
    %while3A_62 = arith.constant 1 : i32
    scf.for %while3A_202 = %while3A_60 to %while3A_56 step %while3A_62  : i32 {
      %mul3A_203 = arith.constant 4 : i32
      %mul3A_204 = arith.muli %while3A_202, %mul3A_203 : i32
      %add3A_205 = arith.constant 0 : i32
      %add3A_206 = arith.addi %mul3A_204, %add3A_205 : i32
      %jit3A_207 = arith.constant 8 : i32
      %div3A_208 = arith.divsi %select_n3A, %jit3A_207 : i32
      %sign3A_209 = arith.constant 0 : i32
      %sign3A_210 = arith.cmpi sgt, %select_n3A, %sign3A_209 : i32
      %sign3A_211 = arith.extui %sign3A_210 : i1 to i32
      %sign3A_212 = arith.constant 0 : i32
      %sign3A_213 = arith.cmpi slt, %select_n3A, %sign3A_212 : i32
      %sign3A_214 = arith.extui %sign3A_213 : i1 to i32
      %sign3A_215 = arith.subi %sign3A_211, %sign3A_214 : i32
      %sign3A_216 = arith.constant 0 : i32
      %sign3A_217 = arith.cmpi sgt, %jit3A_207, %sign3A_216 : i32
      %sign3A_218 = arith.extui %sign3A_217 : i1 to i32
      %sign3A_219 = arith.constant 0 : i32
      %sign3A_220 = arith.cmpi slt, %jit3A_207, %sign3A_219 : i32
      %sign3A_221 = arith.extui %sign3A_220 : i1 to i32
      %sign3A_222 = arith.subi %sign3A_218, %sign3A_221 : i32
      %ne3A_223 = arith.cmpi ne, %sign3A_215, %sign3A_222 : i32
      %rem3A_224 = arith.remsi %select_n3A, %jit3A_207 : i32
      %ne3A_225 = arith.constant 0 : i32
      %ne3A_226 = arith.cmpi ne, %rem3A_224, %ne3A_225 : i32
      %and3A_227 = arith.andi %ne3A_223, %ne3A_226 : i1
      %sub3A_228 = arith.constant 1 : i32
      %sub3A_229 = arith.subi %div3A_208, %sub3A_228 : i32
      %select_n3A_230 = arith.select %and3A_227, %sub3A_229, %div3A_208 : i32
      %mul3A_231 = arith.constant 16 : i32
      %mul3A_232 = arith.muli %add3A_206, %mul3A_231 : i32
      %add3A_233 = arith.addi %select_n3A_230, %mul3A_232 : i32
      %gt3A = arith.constant 0 : i32
      %gt3A_234 = arith.cmpi sgt, %while3A_202, %gt3A : i32
      %convert_element_type3A_235 = arith.extui %gt3A_234 : i1 to i32
      %cond3A_236 = arith.constant 0 : i32
      %cond3A_237 = arith.cmpi ne, %convert_element_type3A_235, %cond3A_236 : i32
      scf.if %cond3A_237 {
        %dma_wait3A_428 = arith.constant 0 : i32
        %dma_wait3A_429 = tpu.memref_slice %arg4[%add3A_233, %dma_wait3A_428] : memref<102400x128xi32, #tpu.memory_space<hbm>> -> memref<16x128xi32, #tpu.memory_space<hbm>>
        %dma_wait3A_430 = arith.constant 0 : i32
        %dma_wait3A_431 = tpu.memref_slice %arg4[%add3A_233, %dma_wait3A_430] : memref<102400x128xi32, #tpu.memory_space<hbm>> -> memref<16x128xi32, #tpu.memory_space<hbm>>
        tpu.wait_dma2 semaphore(%arg18 : memref<!tpu.dma_semaphore, #tpu.memory_space<semaphore_mem>>) src(%arg7 : memref<16x128xi32, #tpu.memory_space<vmem>>) dst(%dma_wait3A_431 : memref<16x128xi32, #tpu.memory_space<hbm>>)
      } else {
      }
      %mul3A_238 = arith.constant 2 : i32
      %mul3A_239 = arith.muli %add3A_206, %mul3A_238 : i32
      %mul3A_240 = arith.constant 128 : i32
      %mul3A_241 = arith.muli %mul3A_239, %mul3A_240 : i32
      %dma_wait3A_242 = tpu.memref_slice %arg5[%mul3A_241] : memref<90112xi32, #tpu.memory_space<vmem>> -> memref<256xi32, #tpu.memory_space<vmem>>
      %dma_wait3A_243 = arith.constant 0 : i32
      %dma_wait3A_244 = arith.constant 0 : i32
      %dma_wait3A_245 = tpu.memref_slice %arg2[%dma_wait3A_243, %dma_wait3A_244] : memref<50000x32xbf16, #tpu.memory_space<hbm>> -> memref<50000x32xbf16, #tpu.memory_space<hbm>>
      tpu.wait_indirect_dma semaphore(%arg14 : memref<!tpu.dma_semaphore, #tpu.memory_space<semaphore_mem>>) src(%dma_wait3A_245 : memref<50000x32xbf16, #tpu.memory_space<hbm>>) dst(%arg6 : memref<256x32xbf16, #tpu.memory_space<vmem>>)
      %parallel_loop3A = arith.constant 0 : i32
      %parallel_loop3A_246 = arith.constant 128 : i32
      %parallel_loop3A_247 = arith.constant 1 : i32
      scf.for %parallel_loop3A_428 = %parallel_loop3A to %parallel_loop3A_246 step %parallel_loop3A_247  : i32 {
        %parallel_loop3A_429 = arith.index_cast %parallel_loop3A_428 : i32 to index
        %parallel_loop3A_430 = arith.constant 0 : index
        %parallel_loop3A_431 = tpu.vector_load %arg6[%parallel_loop3A_429, %parallel_loop3A_430] {strides = array<i32>} : memref<256x32xbf16, #tpu.memory_space<vmem>>, vector<32xbf16>,
        %parallel_loop3A_432 = arith.constant 128 : i32
        %parallel_loop3A_433 = arith.addi %parallel_loop3A_432, %parallel_loop3A_428 : i32
        %parallel_loop3A_434 = arith.index_cast %parallel_loop3A_433 : i32 to index
        %parallel_loop3A_435 = arith.constant 0 : index
        %parallel_loop3A_436 = tpu.vector_load %arg6[%parallel_loop3A_434, %parallel_loop3A_435] {strides = array<i32>} : memref<256x32xbf16, #tpu.memory_space<vmem>>, vector<32xbf16>,
        %parallel_loop3A_437 = arith.mulf %parallel_loop3A_431, %parallel_loop3A_436 : vector<32xbf16>
        %parallel_loop3A_438 = vector.bitcast %parallel_loop3A_437 : vector<32xbf16> to vector<16xi32>
        %parallel_loop3A_439 = arith.constant 8 : i32
        %parallel_loop3A_440 = arith.divsi %parallel_loop3A_428, %parallel_loop3A_439 : i32
        %parallel_loop3A_441 = arith.constant 0 : i32
        %parallel_loop3A_442 = arith.cmpi sgt, %parallel_loop3A_428, %parallel_loop3A_441 : i32
        %parallel_loop3A_443 = arith.extui %parallel_loop3A_442 : i1 to i32
        %parallel_loop3A_444 = arith.constant 0 : i32
        %parallel_loop3A_445 = arith.cmpi slt, %parallel_loop3A_428, %parallel_loop3A_444 : i32
        %parallel_loop3A_446 = arith.extui %parallel_loop3A_445 : i1 to i32
        %parallel_loop3A_447 = arith.subi %parallel_loop3A_443, %parallel_loop3A_446 : i32
        %parallel_loop3A_448 = arith.constant 0 : i32
        %parallel_loop3A_449 = arith.cmpi sgt, %parallel_loop3A_439, %parallel_loop3A_448 : i32
        %parallel_loop3A_450 = arith.extui %parallel_loop3A_449 : i1 to i32
        %parallel_loop3A_451 = arith.constant 0 : i32
        %parallel_loop3A_452 = arith.cmpi slt, %parallel_loop3A_439, %parallel_loop3A_451 : i32
        %parallel_loop3A_453 = arith.extui %parallel_loop3A_452 : i1 to i32
        %parallel_loop3A_454 = arith.subi %parallel_loop3A_450, %parallel_loop3A_453 : i32
        %parallel_loop3A_455 = arith.cmpi ne, %parallel_loop3A_447, %parallel_loop3A_454 : i32
        %parallel_loop3A_456 = arith.remsi %parallel_loop3A_428, %parallel_loop3A_439 : i32
        %parallel_loop3A_457 = arith.constant 0 : i32
        %parallel_loop3A_458 = arith.cmpi ne, %parallel_loop3A_456, %parallel_loop3A_457 : i32
        %parallel_loop3A_459 = arith.andi %parallel_loop3A_455, %parallel_loop3A_458 : i1
        %parallel_loop3A_460 = arith.constant 1 : i32
        %parallel_loop3A_461 = arith.subi %parallel_loop3A_440, %parallel_loop3A_460 : i32
        %parallel_loop3A_462 = arith.select %parallel_loop3A_459, %parallel_loop3A_461, %parallel_loop3A_440 : i32
        %parallel_loop3A_463 = arith.constant 8 : i32
        %parallel_loop3A_464 = arith.constant 0 : i32
        %parallel_loop3A_465 = arith.cmpi eq, %parallel_loop3A_463, %parallel_loop3A_464 : i32
        %parallel_loop3A_466 = arith.constant 1 : i32
        %parallel_loop3A_467 = arith.select %parallel_loop3A_465, %parallel_loop3A_466, %parallel_loop3A_463 : i32
        %parallel_loop3A_468 = arith.remsi %parallel_loop3A_428, %parallel_loop3A_467 : i32
        %parallel_loop3A_469 = arith.constant 0 : i32
        %parallel_loop3A_470 = arith.cmpi ne, %parallel_loop3A_468, %parallel_loop3A_469 : i32
        %parallel_loop3A_471 = arith.constant 0 : i32
        %parallel_loop3A_472 = arith.cmpi slt, %parallel_loop3A_468, %parallel_loop3A_471 : i32
        %parallel_loop3A_473 = arith.constant 0 : i32
        %parallel_loop3A_474 = arith.cmpi slt, %parallel_loop3A_467, %parallel_loop3A_473 : i32
        %parallel_loop3A_475 = arith.xori %parallel_loop3A_472, %parallel_loop3A_474 : i1
        %parallel_loop3A_476 = arith.andi %parallel_loop3A_475, %parallel_loop3A_470 : i1
        %parallel_loop3A_477 = arith.addi %parallel_loop3A_468, %parallel_loop3A_467 : i32
        %parallel_loop3A_478 = arith.select %parallel_loop3A_476, %parallel_loop3A_477, %parallel_loop3A_468 : i32
        %parallel_loop3A_479 = arith.constant 16 : i32
        %parallel_loop3A_480 = arith.muli %parallel_loop3A_478, %parallel_loop3A_479 : i32
        %parallel_loop3A_481 = arith.index_cast %parallel_loop3A_462 : i32 to index
        %parallel_loop3A_482 = arith.index_cast %parallel_loop3A_480 : i32 to index
        %parallel_loop3A_483 = tpu.vector_load %arg7[%parallel_loop3A_481, %parallel_loop3A_482] {strides = array<i32>} : memref<16x128xi32, #tpu.memory_space<vmem>>, vector<16xi32>,
        tpu.vector_store %arg7[%parallel_loop3A_481, %parallel_loop3A_482], %parallel_loop3A_438 {strides = array<i32>} : memref<16x128xi32, #tpu.memory_space<vmem>>, vector<16xi32>,
      } {sc.loop_unroll_factor = 8 : i64, sc.parallel_access}
      %dma_start3A_248 = arith.constant 0 : i32
      %dma_start3A_249 = tpu.memref_slice %arg4[%add3A_233, %dma_start3A_248] : memref<102400x128xi32, #tpu.memory_space<hbm>> -> memref<16x128xi32, #tpu.memory_space<hbm>>
      %dma_start3A_250 = arith.constant 0 : i32
      %dma_start3A_251 = tpu.memref_slice %arg4[%add3A_233, %dma_start3A_250] : memref<102400x128xi32, #tpu.memory_space<hbm>> -> memref<16x128xi32, #tpu.memory_space<hbm>>
      tpu.enqueue_dma source(%arg7 : memref<16x128xi32, #tpu.memory_space<vmem>>) target(%dma_start3A_251 : memref<16x128xi32, #tpu.memory_space<hbm>>) target_semaphore(%arg18 : memref<!tpu.dma_semaphore, #tpu.memory_space<semaphore_mem>>)
      %add3A_252 = arith.constant 4 : i32
      %add3A_253 = arith.addi %add3A_206, %add3A_252 : i32
      %lt3A = arith.cmpi slt, %add3A_253, %select_n3A_8 : i32
      %convert_element_type3A_254 = arith.extui %lt3A : i1 to i32
      %cond3A_255 = arith.constant 0 : i32
      %cond3A_256 = arith.cmpi ne, %convert_element_type3A_254, %cond3A_255 : i32
      scf.if %cond3A_256 {
        %add3A_428 = arith.constant 4 : i32
        %add3A_429 = arith.addi %add3A_206, %add3A_428 : i32
        %mul3A_430 = arith.constant 2 : i32
        %mul3A_431 = arith.muli %add3A_429, %mul3A_430 : i32
        %mul3A_432 = arith.constant 128 : i32
        %mul3A_433 = arith.muli %mul3A_431, %mul3A_432 : i32
        %dma_start3A_434 = tpu.memref_slice %arg5[%mul3A_433] : memref<90112xi32, #tpu.memory_space<vmem>> -> memref<256xi32, #tpu.memory_space<vmem>>
        %dma_start3A_435 = arith.constant 0 : i32
        %dma_start3A_436 = arith.constant 0 : i32
        %dma_start3A_437 = tpu.memref_slice %arg2[%dma_start3A_435, %dma_start3A_436] : memref<50000x32xbf16, #tpu.memory_space<hbm>> -> memref<50000x32xbf16, #tpu.memory_space<hbm>>
        tpu.enqueue_indirect_dma source(%dma_start3A_437 : memref<50000x32xbf16, #tpu.memory_space<hbm>>) target(%arg6 : memref<256x32xbf16, #tpu.memory_space<vmem>>) offsets(%dma_start3A_434 : memref<256xi32, #tpu.memory_space<vmem>>) semaphore(%arg14 : memref<!tpu.dma_semaphore, #tpu.memory_space<semaphore_mem>>)
      } else {
      }
      %mul3A_257 = arith.constant 4 : i32
      %mul3A_258 = arith.muli %while3A_202, %mul3A_257 : i32
      %add3A_259 = arith.constant 1 : i32
      %add3A_260 = arith.addi %mul3A_258, %add3A_259 : i32
      %jit3A_261 = arith.constant 8 : i32
      %div3A_262 = arith.divsi %select_n3A, %jit3A_261 : i32
      %sign3A_263 = arith.constant 0 : i32
      %sign3A_264 = arith.cmpi sgt, %select_n3A, %sign3A_263 : i32
      %sign3A_265 = arith.extui %sign3A_264 : i1 to i32
      %sign3A_266 = arith.constant 0 : i32
      %sign3A_267 = arith.cmpi slt, %select_n3A, %sign3A_266 : i32
      %sign3A_268 = arith.extui %sign3A_267 : i1 to i32
      %sign3A_269 = arith.subi %sign3A_265, %sign3A_268 : i32
      %sign3A_270 = arith.constant 0 : i32
      %sign3A_271 = arith.cmpi sgt, %jit3A_261, %sign3A_270 : i32
      %sign3A_272 = arith.extui %sign3A_271 : i1 to i32
      %sign3A_273 = arith.constant 0 : i32
      %sign3A_274 = arith.cmpi slt, %jit3A_261, %sign3A_273 : i32
      %sign3A_275 = arith.extui %sign3A_274 : i1 to i32
      %sign3A_276 = arith.subi %sign3A_272, %sign3A_275 : i32
      %ne3A_277 = arith.cmpi ne, %sign3A_269, %sign3A_276 : i32
      %rem3A_278 = arith.remsi %select_n3A, %jit3A_261 : i32
      %ne3A_279 = arith.constant 0 : i32
      %ne3A_280 = arith.cmpi ne, %rem3A_278, %ne3A_279 : i32
      %and3A_281 = arith.andi %ne3A_277, %ne3A_280 : i1
      %sub3A_282 = arith.constant 1 : i32
      %sub3A_283 = arith.subi %div3A_262, %sub3A_282 : i32
      %select_n3A_284 = arith.select %and3A_281, %sub3A_283, %div3A_262 : i32
      %mul3A_285 = arith.constant 16 : i32
      %mul3A_286 = arith.muli %add3A_260, %mul3A_285 : i32
      %add3A_287 = arith.addi %select_n3A_284, %mul3A_286 : i32
      %gt3A_288 = arith.constant 0 : i32
      %gt3A_289 = arith.cmpi sgt, %while3A_202, %gt3A_288 : i32
      %convert_element_type3A_290 = arith.extui %gt3A_289 : i1 to i32
      %cond3A_291 = arith.constant 0 : i32
      %cond3A_292 = arith.cmpi ne, %convert_element_type3A_290, %cond3A_291 : i32
      scf.if %cond3A_292 {
        %dma_wait3A_428 = arith.constant 0 : i32
        %dma_wait3A_429 = tpu.memref_slice %arg4[%add3A_287, %dma_wait3A_428] : memref<102400x128xi32, #tpu.memory_space<hbm>> -> memref<16x128xi32, #tpu.memory_space<hbm>>
        %dma_wait3A_430 = arith.constant 0 : i32
        %dma_wait3A_431 = tpu.memref_slice %arg4[%add3A_287, %dma_wait3A_430] : memref<102400x128xi32, #tpu.memory_space<hbm>> -> memref<16x128xi32, #tpu.memory_space<hbm>>
        tpu.wait_dma2 semaphore(%arg19 : memref<!tpu.dma_semaphore, #tpu.memory_space<semaphore_mem>>) src(%arg9 : memref<16x128xi32, #tpu.memory_space<vmem>>) dst(%dma_wait3A_431 : memref<16x128xi32, #tpu.memory_space<hbm>>)
      } else {
      }
      %mul3A_293 = arith.constant 2 : i32
      %mul3A_294 = arith.muli %add3A_260, %mul3A_293 : i32
      %mul3A_295 = arith.constant 128 : i32
      %mul3A_296 = arith.muli %mul3A_294, %mul3A_295 : i32
      %dma_wait3A_297 = tpu.memref_slice %arg5[%mul3A_296] : memref<90112xi32, #tpu.memory_space<vmem>> -> memref<256xi32, #tpu.memory_space<vmem>>
      %dma_wait3A_298 = arith.constant 0 : i32
      %dma_wait3A_299 = arith.constant 0 : i32
      %dma_wait3A_300 = tpu.memref_slice %arg2[%dma_wait3A_298, %dma_wait3A_299] : memref<50000x32xbf16, #tpu.memory_space<hbm>> -> memref<50000x32xbf16, #tpu.memory_space<hbm>>
      tpu.wait_indirect_dma semaphore(%arg15 : memref<!tpu.dma_semaphore, #tpu.memory_space<semaphore_mem>>) src(%dma_wait3A_300 : memref<50000x32xbf16, #tpu.memory_space<hbm>>) dst(%arg8 : memref<256x32xbf16, #tpu.memory_space<vmem>>)
      %parallel_loop3A_301 = arith.constant 0 : i32
      %parallel_loop3A_302 = arith.constant 128 : i32
      %parallel_loop3A_303 = arith.constant 1 : i32
      scf.for %parallel_loop3A_428 = %parallel_loop3A_301 to %parallel_loop3A_302 step %parallel_loop3A_303  : i32 {
        %parallel_loop3A_429 = arith.index_cast %parallel_loop3A_428 : i32 to index
        %parallel_loop3A_430 = arith.constant 0 : index
        %parallel_loop3A_431 = tpu.vector_load %arg8[%parallel_loop3A_429, %parallel_loop3A_430] {strides = array<i32>} : memref<256x32xbf16, #tpu.memory_space<vmem>>, vector<32xbf16>,
        %parallel_loop3A_432 = arith.constant 128 : i32
        %parallel_loop3A_433 = arith.addi %parallel_loop3A_432, %parallel_loop3A_428 : i32
        %parallel_loop3A_434 = arith.index_cast %parallel_loop3A_433 : i32 to index
        %parallel_loop3A_435 = arith.constant 0 : index
        %parallel_loop3A_436 = tpu.vector_load %arg8[%parallel_loop3A_434, %parallel_loop3A_435] {strides = array<i32>} : memref<256x32xbf16, #tpu.memory_space<vmem>>, vector<32xbf16>,
        %parallel_loop3A_437 = arith.mulf %parallel_loop3A_431, %parallel_loop3A_436 : vector<32xbf16>
        %parallel_loop3A_438 = vector.bitcast %parallel_loop3A_437 : vector<32xbf16> to vector<16xi32>
        %parallel_loop3A_439 = arith.constant 8 : i32
        %parallel_loop3A_440 = arith.divsi %parallel_loop3A_428, %parallel_loop3A_439 : i32
        %parallel_loop3A_441 = arith.constant 0 : i32
        %parallel_loop3A_442 = arith.cmpi sgt, %parallel_loop3A_428, %parallel_loop3A_441 : i32
        %parallel_loop3A_443 = arith.extui %parallel_loop3A_442 : i1 to i32
        %parallel_loop3A_444 = arith.constant 0 : i32
        %parallel_loop3A_445 = arith.cmpi slt, %parallel_loop3A_428, %parallel_loop3A_444 : i32
        %parallel_loop3A_446 = arith.extui %parallel_loop3A_445 : i1 to i32
        %parallel_loop3A_447 = arith.subi %parallel_loop3A_443, %parallel_loop3A_446 : i32
        %parallel_loop3A_448 = arith.constant 0 : i32
        %parallel_loop3A_449 = arith.cmpi sgt, %parallel_loop3A_439, %parallel_loop3A_448 : i32
        %parallel_loop3A_450 = arith.extui %parallel_loop3A_449 : i1 to i32
        %parallel_loop3A_451 = arith.constant 0 : i32
        %parallel_loop3A_452 = arith.cmpi slt, %parallel_loop3A_439, %parallel_loop3A_451 : i32
        %parallel_loop3A_453 = arith.extui %parallel_loop3A_452 : i1 to i32
        %parallel_loop3A_454 = arith.subi %parallel_loop3A_450, %parallel_loop3A_453 : i32
        %parallel_loop3A_455 = arith.cmpi ne, %parallel_loop3A_447, %parallel_loop3A_454 : i32
        %parallel_loop3A_456 = arith.remsi %parallel_loop3A_428, %parallel_loop3A_439 : i32
        %parallel_loop3A_457 = arith.constant 0 : i32
        %parallel_loop3A_458 = arith.cmpi ne, %parallel_loop3A_456, %parallel_loop3A_457 : i32
        %parallel_loop3A_459 = arith.andi %parallel_loop3A_455, %parallel_loop3A_458 : i1
        %parallel_loop3A_460 = arith.constant 1 : i32
        %parallel_loop3A_461 = arith.subi %parallel_loop3A_440, %parallel_loop3A_460 : i32
        %parallel_loop3A_462 = arith.select %parallel_loop3A_459, %parallel_loop3A_461, %parallel_loop3A_440 : i32
        %parallel_loop3A_463 = arith.constant 8 : i32
        %parallel_loop3A_464 = arith.constant 0 : i32
        %parallel_loop3A_465 = arith.cmpi eq, %parallel_loop3A_463, %parallel_loop3A_464 : i32
        %parallel_loop3A_466 = arith.constant 1 : i32
        %parallel_loop3A_467 = arith.select %parallel_loop3A_465, %parallel_loop3A_466, %parallel_loop3A_463 : i32
        %parallel_loop3A_468 = arith.remsi %parallel_loop3A_428, %parallel_loop3A_467 : i32
        %parallel_loop3A_469 = arith.constant 0 : i32
        %parallel_loop3A_470 = arith.cmpi ne, %parallel_loop3A_468, %parallel_loop3A_469 : i32
        %parallel_loop3A_471 = arith.constant 0 : i32
        %parallel_loop3A_472 = arith.cmpi slt, %parallel_loop3A_468, %parallel_loop3A_471 : i32
        %parallel_loop3A_473 = arith.constant 0 : i32
        %parallel_loop3A_474 = arith.cmpi slt, %parallel_loop3A_467, %parallel_loop3A_473 : i32
        %parallel_loop3A_475 = arith.xori %parallel_loop3A_472, %parallel_loop3A_474 : i1
        %parallel_loop3A_476 = arith.andi %parallel_loop3A_475, %parallel_loop3A_470 : i1
        %parallel_loop3A_477 = arith.addi %parallel_loop3A_468, %parallel_loop3A_467 : i32
        %parallel_loop3A_478 = arith.select %parallel_loop3A_476, %parallel_loop3A_477, %parallel_loop3A_468 : i32
        %parallel_loop3A_479 = arith.constant 16 : i32
        %parallel_loop3A_480 = arith.muli %parallel_loop3A_478, %parallel_loop3A_479 : i32
        %parallel_loop3A_481 = arith.index_cast %parallel_loop3A_462 : i32 to index
        %parallel_loop3A_482 = arith.index_cast %parallel_loop3A_480 : i32 to index
        %parallel_loop3A_483 = tpu.vector_load %arg9[%parallel_loop3A_481, %parallel_loop3A_482] {strides = array<i32>} : memref<16x128xi32, #tpu.memory_space<vmem>>, vector<16xi32>,
        tpu.vector_store %arg9[%parallel_loop3A_481, %parallel_loop3A_482], %parallel_loop3A_438 {strides = array<i32>} : memref<16x128xi32, #tpu.memory_space<vmem>>, vector<16xi32>,
      } {sc.loop_unroll_factor = 8 : i64, sc.parallel_access}
      %dma_start3A_304 = arith.constant 0 : i32
      %dma_start3A_305 = tpu.memref_slice %arg4[%add3A_287, %dma_start3A_304] : memref<102400x128xi32, #tpu.memory_space<hbm>> -> memref<16x128xi32, #tpu.memory_space<hbm>>
      %dma_start3A_306 = arith.constant 0 : i32
      %dma_start3A_307 = tpu.memref_slice %arg4[%add3A_287, %dma_start3A_306] : memref<102400x128xi32, #tpu.memory_space<hbm>> -> memref<16x128xi32, #tpu.memory_space<hbm>>
      tpu.enqueue_dma source(%arg9 : memref<16x128xi32, #tpu.memory_space<vmem>>) target(%dma_start3A_307 : memref<16x128xi32, #tpu.memory_space<hbm>>) target_semaphore(%arg19 : memref<!tpu.dma_semaphore, #tpu.memory_space<semaphore_mem>>)
      %add3A_308 = arith.constant 4 : i32
      %add3A_309 = arith.addi %add3A_260, %add3A_308 : i32
      %lt3A_310 = arith.cmpi slt, %add3A_309, %select_n3A_8 : i32
      %convert_element_type3A_311 = arith.extui %lt3A_310 : i1 to i32
      %cond3A_312 = arith.constant 0 : i32
      %cond3A_313 = arith.cmpi ne, %convert_element_type3A_311, %cond3A_312 : i32
      scf.if %cond3A_313 {
        %add3A_428 = arith.constant 4 : i32
        %add3A_429 = arith.addi %add3A_260, %add3A_428 : i32
        %mul3A_430 = arith.constant 2 : i32
        %mul3A_431 = arith.muli %add3A_429, %mul3A_430 : i32
        %mul3A_432 = arith.constant 128 : i32
        %mul3A_433 = arith.muli %mul3A_431, %mul3A_432 : i32
        %dma_start3A_434 = tpu.memref_slice %arg5[%mul3A_433] : memref<90112xi32, #tpu.memory_space<vmem>> -> memref<256xi32, #tpu.memory_space<vmem>>
        %dma_start3A_435 = arith.constant 0 : i32
        %dma_start3A_436 = arith.constant 0 : i32
        %dma_start3A_437 = tpu.memref_slice %arg2[%dma_start3A_435, %dma_start3A_436] : memref<50000x32xbf16, #tpu.memory_space<hbm>> -> memref<50000x32xbf16, #tpu.memory_space<hbm>>
        tpu.enqueue_indirect_dma source(%dma_start3A_437 : memref<50000x32xbf16, #tpu.memory_space<hbm>>) target(%arg8 : memref<256x32xbf16, #tpu.memory_space<vmem>>) offsets(%dma_start3A_434 : memref<256xi32, #tpu.memory_space<vmem>>) semaphore(%arg15 : memref<!tpu.dma_semaphore, #tpu.memory_space<semaphore_mem>>)
      } else {
      }
      %mul3A_314 = arith.constant 4 : i32
      %mul3A_315 = arith.muli %while3A_202, %mul3A_314 : i32
      %add3A_316 = arith.constant 2 : i32
      %add3A_317 = arith.addi %mul3A_315, %add3A_316 : i32
      %jit3A_318 = arith.constant 8 : i32
      %div3A_319 = arith.divsi %select_n3A, %jit3A_318 : i32
      %sign3A_320 = arith.constant 0 : i32
      %sign3A_321 = arith.cmpi sgt, %select_n3A, %sign3A_320 : i32
      %sign3A_322 = arith.extui %sign3A_321 : i1 to i32
      %sign3A_323 = arith.constant 0 : i32
      %sign3A_324 = arith.cmpi slt, %select_n3A, %sign3A_323 : i32
      %sign3A_325 = arith.extui %sign3A_324 : i1 to i32
      %sign3A_326 = arith.subi %sign3A_322, %sign3A_325 : i32
      %sign3A_327 = arith.constant 0 : i32
      %sign3A_328 = arith.cmpi sgt, %jit3A_318, %sign3A_327 : i32
      %sign3A_329 = arith.extui %sign3A_328 : i1 to i32
      %sign3A_330 = arith.constant 0 : i32
      %sign3A_331 = arith.cmpi slt, %jit3A_318, %sign3A_330 : i32
      %sign3A_332 = arith.extui %sign3A_331 : i1 to i32
      %sign3A_333 = arith.subi %sign3A_329, %sign3A_332 : i32
      %ne3A_334 = arith.cmpi ne, %sign3A_326, %sign3A_333 : i32
      %rem3A_335 = arith.remsi %select_n3A, %jit3A_318 : i32
      %ne3A_336 = arith.constant 0 : i32
      %ne3A_337 = arith.cmpi ne, %rem3A_335, %ne3A_336 : i32
      %and3A_338 = arith.andi %ne3A_334, %ne3A_337 : i1
      %sub3A_339 = arith.constant 1 : i32
      %sub3A_340 = arith.subi %div3A_319, %sub3A_339 : i32
      %select_n3A_341 = arith.select %and3A_338, %sub3A_340, %div3A_319 : i32
      %mul3A_342 = arith.constant 16 : i32
      %mul3A_343 = arith.muli %add3A_317, %mul3A_342 : i32
      %add3A_344 = arith.addi %select_n3A_341, %mul3A_343 : i32
      %gt3A_345 = arith.constant 0 : i32
      %gt3A_346 = arith.cmpi sgt, %while3A_202, %gt3A_345 : i32
      %convert_element_type3A_347 = arith.extui %gt3A_346 : i1 to i32
      %cond3A_348 = arith.constant 0 : i32
      %cond3A_349 = arith.cmpi ne, %convert_element_type3A_347, %cond3A_348 : i32
      scf.if %cond3A_349 {
        %dma_wait3A_428 = arith.constant 0 : i32
        %dma_wait3A_429 = tpu.memref_slice %arg4[%add3A_344, %dma_wait3A_428] : memref<102400x128xi32, #tpu.memory_space<hbm>> -> memref<16x128xi32, #tpu.memory_space<hbm>>
        %dma_wait3A_430 = arith.constant 0 : i32
        %dma_wait3A_431 = tpu.memref_slice %arg4[%add3A_344, %dma_wait3A_430] : memref<102400x128xi32, #tpu.memory_space<hbm>> -> memref<16x128xi32, #tpu.memory_space<hbm>>
        tpu.wait_dma2 semaphore(%arg20 : memref<!tpu.dma_semaphore, #tpu.memory_space<semaphore_mem>>) src(%arg11 : memref<16x128xi32, #tpu.memory_space<vmem>>) dst(%dma_wait3A_431 : memref<16x128xi32, #tpu.memory_space<hbm>>)
      } else {
      }
      %mul3A_350 = arith.constant 2 : i32
      %mul3A_351 = arith.muli %add3A_317, %mul3A_350 : i32
      %mul3A_352 = arith.constant 128 : i32
      %mul3A_353 = arith.muli %mul3A_351, %mul3A_352 : i32
      %dma_wait3A_354 = tpu.memref_slice %arg5[%mul3A_353] : memref<90112xi32, #tpu.memory_space<vmem>> -> memref<256xi32, #tpu.memory_space<vmem>>
      %dma_wait3A_355 = arith.constant 0 : i32
      %dma_wait3A_356 = arith.constant 0 : i32
      %dma_wait3A_357 = tpu.memref_slice %arg2[%dma_wait3A_355, %dma_wait3A_356] : memref<50000x32xbf16, #tpu.memory_space<hbm>> -> memref<50000x32xbf16, #tpu.memory_space<hbm>>
      tpu.wait_indirect_dma semaphore(%arg16 : memref<!tpu.dma_semaphore, #tpu.memory_space<semaphore_mem>>) src(%dma_wait3A_357 : memref<50000x32xbf16, #tpu.memory_space<hbm>>) dst(%arg10 : memref<256x32xbf16, #tpu.memory_space<vmem>>)
      %parallel_loop3A_358 = arith.constant 0 : i32
      %parallel_loop3A_359 = arith.constant 128 : i32
      %parallel_loop3A_360 = arith.constant 1 : i32
      scf.for %parallel_loop3A_428 = %parallel_loop3A_358 to %parallel_loop3A_359 step %parallel_loop3A_360  : i32 {
        %parallel_loop3A_429 = arith.index_cast %parallel_loop3A_428 : i32 to index
        %parallel_loop3A_430 = arith.constant 0 : index
        %parallel_loop3A_431 = tpu.vector_load %arg10[%parallel_loop3A_429, %parallel_loop3A_430] {strides = array<i32>} : memref<256x32xbf16, #tpu.memory_space<vmem>>, vector<32xbf16>,
        %parallel_loop3A_432 = arith.constant 128 : i32
        %parallel_loop3A_433 = arith.addi %parallel_loop3A_432, %parallel_loop3A_428 : i32
        %parallel_loop3A_434 = arith.index_cast %parallel_loop3A_433 : i32 to index
        %parallel_loop3A_435 = arith.constant 0 : index
        %parallel_loop3A_436 = tpu.vector_load %arg10[%parallel_loop3A_434, %parallel_loop3A_435] {strides = array<i32>} : memref<256x32xbf16, #tpu.memory_space<vmem>>, vector<32xbf16>,
        %parallel_loop3A_437 = arith.mulf %parallel_loop3A_431, %parallel_loop3A_436 : vector<32xbf16>
        %parallel_loop3A_438 = vector.bitcast %parallel_loop3A_437 : vector<32xbf16> to vector<16xi32>
        %parallel_loop3A_439 = arith.constant 8 : i32
        %parallel_loop3A_440 = arith.divsi %parallel_loop3A_428, %parallel_loop3A_439 : i32
        %parallel_loop3A_441 = arith.constant 0 : i32
        %parallel_loop3A_442 = arith.cmpi sgt, %parallel_loop3A_428, %parallel_loop3A_441 : i32
        %parallel_loop3A_443 = arith.extui %parallel_loop3A_442 : i1 to i32
        %parallel_loop3A_444 = arith.constant 0 : i32
        %parallel_loop3A_445 = arith.cmpi slt, %parallel_loop3A_428, %parallel_loop3A_444 : i32
        %parallel_loop3A_446 = arith.extui %parallel_loop3A_445 : i1 to i32
        %parallel_loop3A_447 = arith.subi %parallel_loop3A_443, %parallel_loop3A_446 : i32
        %parallel_loop3A_448 = arith.constant 0 : i32
        %parallel_loop3A_449 = arith.cmpi sgt, %parallel_loop3A_439, %parallel_loop3A_448 : i32
        %parallel_loop3A_450 = arith.extui %parallel_loop3A_449 : i1 to i32
        %parallel_loop3A_451 = arith.constant 0 : i32
        %parallel_loop3A_452 = arith.cmpi slt, %parallel_loop3A_439, %parallel_loop3A_451 : i32
        %parallel_loop3A_453 = arith.extui %parallel_loop3A_452 : i1 to i32
        %parallel_loop3A_454 = arith.subi %parallel_loop3A_450, %parallel_loop3A_453 : i32
        %parallel_loop3A_455 = arith.cmpi ne, %parallel_loop3A_447, %parallel_loop3A_454 : i32
        %parallel_loop3A_456 = arith.remsi %parallel_loop3A_428, %parallel_loop3A_439 : i32
        %parallel_loop3A_457 = arith.constant 0 : i32
        %parallel_loop3A_458 = arith.cmpi ne, %parallel_loop3A_456, %parallel_loop3A_457 : i32
        %parallel_loop3A_459 = arith.andi %parallel_loop3A_455, %parallel_loop3A_458 : i1
        %parallel_loop3A_460 = arith.constant 1 : i32
        %parallel_loop3A_461 = arith.subi %parallel_loop3A_440, %parallel_loop3A_460 : i32
        %parallel_loop3A_462 = arith.select %parallel_loop3A_459, %parallel_loop3A_461, %parallel_loop3A_440 : i32
        %parallel_loop3A_463 = arith.constant 8 : i32
        %parallel_loop3A_464 = arith.constant 0 : i32
        %parallel_loop3A_465 = arith.cmpi eq, %parallel_loop3A_463, %parallel_loop3A_464 : i32
        %parallel_loop3A_466 = arith.constant 1 : i32
        %parallel_loop3A_467 = arith.select %parallel_loop3A_465, %parallel_loop3A_466, %parallel_loop3A_463 : i32
        %parallel_loop3A_468 = arith.remsi %parallel_loop3A_428, %parallel_loop3A_467 : i32
        %parallel_loop3A_469 = arith.constant 0 : i32
        %parallel_loop3A_470 = arith.cmpi ne, %parallel_loop3A_468, %parallel_loop3A_469 : i32
        %parallel_loop3A_471 = arith.constant 0 : i32
        %parallel_loop3A_472 = arith.cmpi slt, %parallel_loop3A_468, %parallel_loop3A_471 : i32
        %parallel_loop3A_473 = arith.constant 0 : i32
        %parallel_loop3A_474 = arith.cmpi slt, %parallel_loop3A_467, %parallel_loop3A_473 : i32
        %parallel_loop3A_475 = arith.xori %parallel_loop3A_472, %parallel_loop3A_474 : i1
        %parallel_loop3A_476 = arith.andi %parallel_loop3A_475, %parallel_loop3A_470 : i1
        %parallel_loop3A_477 = arith.addi %parallel_loop3A_468, %parallel_loop3A_467 : i32
        %parallel_loop3A_478 = arith.select %parallel_loop3A_476, %parallel_loop3A_477, %parallel_loop3A_468 : i32
        %parallel_loop3A_479 = arith.constant 16 : i32
        %parallel_loop3A_480 = arith.muli %parallel_loop3A_478, %parallel_loop3A_479 : i32
        %parallel_loop3A_481 = arith.index_cast %parallel_loop3A_462 : i32 to index
        %parallel_loop3A_482 = arith.index_cast %parallel_loop3A_480 : i32 to index
        %parallel_loop3A_483 = tpu.vector_load %arg11[%parallel_loop3A_481, %parallel_loop3A_482] {strides = array<i32>} : memref<16x128xi32, #tpu.memory_space<vmem>>, vector<16xi32>,
        tpu.vector_store %arg11[%parallel_loop3A_481, %parallel_loop3A_482], %parallel_loop3A_438 {strides = array<i32>} : memref<16x128xi32, #tpu.memory_space<vmem>>, vector<16xi32>,
      } {sc.loop_unroll_factor = 8 : i64, sc.parallel_access}
      %dma_start3A_361 = arith.constant 0 : i32
      %dma_start3A_362 = tpu.memref_slice %arg4[%add3A_344, %dma_start3A_361] : memref<102400x128xi32, #tpu.memory_space<hbm>> -> memref<16x128xi32, #tpu.memory_space<hbm>>
      %dma_start3A_363 = arith.constant 0 : i32
      %dma_start3A_364 = tpu.memref_slice %arg4[%add3A_344, %dma_start3A_363] : memref<102400x128xi32, #tpu.memory_space<hbm>> -> memref<16x128xi32, #tpu.memory_space<hbm>>
      tpu.enqueue_dma source(%arg11 : memref<16x128xi32, #tpu.memory_space<vmem>>) target(%dma_start3A_364 : memref<16x128xi32, #tpu.memory_space<hbm>>) target_semaphore(%arg20 : memref<!tpu.dma_semaphore, #tpu.memory_space<semaphore_mem>>)
      %add3A_365 = arith.constant 4 : i32
      %add3A_366 = arith.addi %add3A_317, %add3A_365 : i32
      %lt3A_367 = arith.cmpi slt, %add3A_366, %select_n3A_8 : i32
      %convert_element_type3A_368 = arith.extui %lt3A_367 : i1 to i32
      %cond3A_369 = arith.constant 0 : i32
      %cond3A_370 = arith.cmpi ne, %convert_element_type3A_368, %cond3A_369 : i32
      scf.if %cond3A_370 {
        %add3A_428 = arith.constant 4 : i32
        %add3A_429 = arith.addi %add3A_317, %add3A_428 : i32
        %mul3A_430 = arith.constant 2 : i32
        %mul3A_431 = arith.muli %add3A_429, %mul3A_430 : i32
        %mul3A_432 = arith.constant 128 : i32
        %mul3A_433 = arith.muli %mul3A_431, %mul3A_432 : i32
        %dma_start3A_434 = tpu.memref_slice %arg5[%mul3A_433] : memref<90112xi32, #tpu.memory_space<vmem>> -> memref<256xi32, #tpu.memory_space<vmem>>
        %dma_start3A_435 = arith.constant 0 : i32
        %dma_start3A_436 = arith.constant 0 : i32
        %dma_start3A_437 = tpu.memref_slice %arg2[%dma_start3A_435, %dma_start3A_436] : memref<50000x32xbf16, #tpu.memory_space<hbm>> -> memref<50000x32xbf16, #tpu.memory_space<hbm>>
        tpu.enqueue_indirect_dma source(%dma_start3A_437 : memref<50000x32xbf16, #tpu.memory_space<hbm>>) target(%arg10 : memref<256x32xbf16, #tpu.memory_space<vmem>>) offsets(%dma_start3A_434 : memref<256xi32, #tpu.memory_space<vmem>>) semaphore(%arg16 : memref<!tpu.dma_semaphore, #tpu.memory_space<semaphore_mem>>)
      } else {
      }
      %mul3A_371 = arith.constant 4 : i32
      %mul3A_372 = arith.muli %while3A_202, %mul3A_371 : i32
      %add3A_373 = arith.constant 3 : i32
      %add3A_374 = arith.addi %mul3A_372, %add3A_373 : i32
      %jit3A_375 = arith.constant 8 : i32
      %div3A_376 = arith.divsi %select_n3A, %jit3A_375 : i32
      %sign3A_377 = arith.constant 0 : i32
      %sign3A_378 = arith.cmpi sgt, %select_n3A, %sign3A_377 : i32
      %sign3A_379 = arith.extui %sign3A_378 : i1 to i32
      %sign3A_380 = arith.constant 0 : i32
      %sign3A_381 = arith.cmpi slt, %select_n3A, %sign3A_380 : i32
      %sign3A_382 = arith.extui %sign3A_381 : i1 to i32
      %sign3A_383 = arith.subi %sign3A_379, %sign3A_382 : i32
      %sign3A_384 = arith.constant 0 : i32
      %sign3A_385 = arith.cmpi sgt, %jit3A_375, %sign3A_384 : i32
      %sign3A_386 = arith.extui %sign3A_385 : i1 to i32
      %sign3A_387 = arith.constant 0 : i32
      %sign3A_388 = arith.cmpi slt, %jit3A_375, %sign3A_387 : i32
      %sign3A_389 = arith.extui %sign3A_388 : i1 to i32
      %sign3A_390 = arith.subi %sign3A_386, %sign3A_389 : i32
      %ne3A_391 = arith.cmpi ne, %sign3A_383, %sign3A_390 : i32
      %rem3A_392 = arith.remsi %select_n3A, %jit3A_375 : i32
      %ne3A_393 = arith.constant 0 : i32
      %ne3A_394 = arith.cmpi ne, %rem3A_392, %ne3A_393 : i32
      %and3A_395 = arith.andi %ne3A_391, %ne3A_394 : i1
      %sub3A_396 = arith.constant 1 : i32
      %sub3A_397 = arith.subi %div3A_376, %sub3A_396 : i32
      %select_n3A_398 = arith.select %and3A_395, %sub3A_397, %div3A_376 : i32
      %mul3A_399 = arith.constant 16 : i32
      %mul3A_400 = arith.muli %add3A_374, %mul3A_399 : i32
      %add3A_401 = arith.addi %select_n3A_398, %mul3A_400 : i32
      %gt3A_402 = arith.constant 0 : i32
      %gt3A_403 = arith.cmpi sgt, %while3A_202, %gt3A_402 : i32
      %convert_element_type3A_404 = arith.extui %gt3A_403 : i1 to i32
      %cond3A_405 = arith.constant 0 : i32
      %cond3A_406 = arith.cmpi ne, %convert_element_type3A_404, %cond3A_405 : i32
      scf.if %cond3A_406 {
        %dma_wait3A_428 = arith.constant 0 : i32
        %dma_wait3A_429 = tpu.memref_slice %arg4[%add3A_401, %dma_wait3A_428] : memref<102400x128xi32, #tpu.memory_space<hbm>> -> memref<16x128xi32, #tpu.memory_space<hbm>>
        %dma_wait3A_430 = arith.constant 0 : i32
        %dma_wait3A_431 = tpu.memref_slice %arg4[%add3A_401, %dma_wait3A_430] : memref<102400x128xi32, #tpu.memory_space<hbm>> -> memref<16x128xi32, #tpu.memory_space<hbm>>
        tpu.wait_dma2 semaphore(%arg21 : memref<!tpu.dma_semaphore, #tpu.memory_space<semaphore_mem>>) src(%arg13 : memref<16x128xi32, #tpu.memory_space<vmem>>) dst(%dma_wait3A_431 : memref<16x128xi32, #tpu.memory_space<hbm>>)
      } else {
      }
      %mul3A_407 = arith.constant 2 : i32
      %mul3A_408 = arith.muli %add3A_374, %mul3A_407 : i32
      %mul3A_409 = arith.constant 128 : i32
      %mul3A_410 = arith.muli %mul3A_408, %mul3A_409 : i32
      %dma_wait3A_411 = tpu.memref_slice %arg5[%mul3A_410] : memref<90112xi32, #tpu.memory_space<vmem>> -> memref<256xi32, #tpu.memory_space<vmem>>
      %dma_wait3A_412 = arith.constant 0 : i32
      %dma_wait3A_413 = arith.constant 0 : i32
      %dma_wait3A_414 = tpu.memref_slice %arg2[%dma_wait3A_412, %dma_wait3A_413] : memref<50000x32xbf16, #tpu.memory_space<hbm>> -> memref<50000x32xbf16, #tpu.memory_space<hbm>>
      tpu.wait_indirect_dma semaphore(%arg17 : memref<!tpu.dma_semaphore, #tpu.memory_space<semaphore_mem>>) src(%dma_wait3A_414 : memref<50000x32xbf16, #tpu.memory_space<hbm>>) dst(%arg12 : memref<256x32xbf16, #tpu.memory_space<vmem>>)
      %parallel_loop3A_415 = arith.constant 0 : i32
      %parallel_loop3A_416 = arith.constant 128 : i32
      %parallel_loop3A_417 = arith.constant 1 : i32
      scf.for %parallel_loop3A_428 = %parallel_loop3A_415 to %parallel_loop3A_416 step %parallel_loop3A_417  : i32 {
        %parallel_loop3A_429 = arith.index_cast %parallel_loop3A_428 : i32 to index
        %parallel_loop3A_430 = arith.constant 0 : index
        %parallel_loop3A_431 = tpu.vector_load %arg12[%parallel_loop3A_429, %parallel_loop3A_430] {strides = array<i32>} : memref<256x32xbf16, #tpu.memory_space<vmem>>, vector<32xbf16>,
        %parallel_loop3A_432 = arith.constant 128 : i32
        %parallel_loop3A_433 = arith.addi %parallel_loop3A_432, %parallel_loop3A_428 : i32
        %parallel_loop3A_434 = arith.index_cast %parallel_loop3A_433 : i32 to index
        %parallel_loop3A_435 = arith.constant 0 : index
        %parallel_loop3A_436 = tpu.vector_load %arg12[%parallel_loop3A_434, %parallel_loop3A_435] {strides = array<i32>} : memref<256x32xbf16, #tpu.memory_space<vmem>>, vector<32xbf16>,
        %parallel_loop3A_437 = arith.mulf %parallel_loop3A_431, %parallel_loop3A_436 : vector<32xbf16>
        %parallel_loop3A_438 = vector.bitcast %parallel_loop3A_437 : vector<32xbf16> to vector<16xi32>
        %parallel_loop3A_439 = arith.constant 8 : i32
        %parallel_loop3A_440 = arith.divsi %parallel_loop3A_428, %parallel_loop3A_439 : i32
        %parallel_loop3A_441 = arith.constant 0 : i32
        %parallel_loop3A_442 = arith.cmpi sgt, %parallel_loop3A_428, %parallel_loop3A_441 : i32
        %parallel_loop3A_443 = arith.extui %parallel_loop3A_442 : i1 to i32
        %parallel_loop3A_444 = arith.constant 0 : i32
        %parallel_loop3A_445 = arith.cmpi slt, %parallel_loop3A_428, %parallel_loop3A_444 : i32
        %parallel_loop3A_446 = arith.extui %parallel_loop3A_445 : i1 to i32
        %parallel_loop3A_447 = arith.subi %parallel_loop3A_443, %parallel_loop3A_446 : i32
        %parallel_loop3A_448 = arith.constant 0 : i32
        %parallel_loop3A_449 = arith.cmpi sgt, %parallel_loop3A_439, %parallel_loop3A_448 : i32
        %parallel_loop3A_450 = arith.extui %parallel_loop3A_449 : i1 to i32
        %parallel_loop3A_451 = arith.constant 0 : i32
        %parallel_loop3A_452 = arith.cmpi slt, %parallel_loop3A_439, %parallel_loop3A_451 : i32
        %parallel_loop3A_453 = arith.extui %parallel_loop3A_452 : i1 to i32
        %parallel_loop3A_454 = arith.subi %parallel_loop3A_450, %parallel_loop3A_453 : i32
        %parallel_loop3A_455 = arith.cmpi ne, %parallel_loop3A_447, %parallel_loop3A_454 : i32
        %parallel_loop3A_456 = arith.remsi %parallel_loop3A_428, %parallel_loop3A_439 : i32
        %parallel_loop3A_457 = arith.constant 0 : i32
        %parallel_loop3A_458 = arith.cmpi ne, %parallel_loop3A_456, %parallel_loop3A_457 : i32
        %parallel_loop3A_459 = arith.andi %parallel_loop3A_455, %parallel_loop3A_458 : i1
        %parallel_loop3A_460 = arith.constant 1 : i32
        %parallel_loop3A_461 = arith.subi %parallel_loop3A_440, %parallel_loop3A_460 : i32
        %parallel_loop3A_462 = arith.select %parallel_loop3A_459, %parallel_loop3A_461, %parallel_loop3A_440 : i32
        %parallel_loop3A_463 = arith.constant 8 : i32
        %parallel_loop3A_464 = arith.constant 0 : i32
        %parallel_loop3A_465 = arith.cmpi eq, %parallel_loop3A_463, %parallel_loop3A_464 : i32
        %parallel_loop3A_466 = arith.constant 1 : i32
        %parallel_loop3A_467 = arith.select %parallel_loop3A_465, %parallel_loop3A_466, %parallel_loop3A_463 : i32
        %parallel_loop3A_468 = arith.remsi %parallel_loop3A_428, %parallel_loop3A_467 : i32
        %parallel_loop3A_469 = arith.constant 0 : i32
        %parallel_loop3A_470 = arith.cmpi ne, %parallel_loop3A_468, %parallel_loop3A_469 : i32
        %parallel_loop3A_471 = arith.constant 0 : i32
        %parallel_loop3A_472 = arith.cmpi slt, %parallel_loop3A_468, %parallel_loop3A_471 : i32
        %parallel_loop3A_473 = arith.constant 0 : i32
        %parallel_loop3A_474 = arith.cmpi slt, %parallel_loop3A_467, %parallel_loop3A_473 : i32
        %parallel_loop3A_475 = arith.xori %parallel_loop3A_472, %parallel_loop3A_474 : i1
        %parallel_loop3A_476 = arith.andi %parallel_loop3A_475, %parallel_loop3A_470 : i1
        %parallel_loop3A_477 = arith.addi %parallel_loop3A_468, %parallel_loop3A_467 : i32
        %parallel_loop3A_478 = arith.select %parallel_loop3A_476, %parallel_loop3A_477, %parallel_loop3A_468 : i32
        %parallel_loop3A_479 = arith.constant 16 : i32
        %parallel_loop3A_480 = arith.muli %parallel_loop3A_478, %parallel_loop3A_479 : i32
        %parallel_loop3A_481 = arith.index_cast %parallel_loop3A_462 : i32 to index
        %parallel_loop3A_482 = arith.index_cast %parallel_loop3A_480 : i32 to index
        %parallel_loop3A_483 = tpu.vector_load %arg13[%parallel_loop3A_481, %parallel_loop3A_482] {strides = array<i32>} : memref<16x128xi32, #tpu.memory_space<vmem>>, vector<16xi32>,
        tpu.vector_store %arg13[%parallel_loop3A_481, %parallel_loop3A_482], %parallel_loop3A_438 {strides = array<i32>} : memref<16x128xi32, #tpu.memory_space<vmem>>, vector<16xi32>,
      } {sc.loop_unroll_factor = 8 : i64, sc.parallel_access}
      %dma_start3A_418 = arith.constant 0 : i32
      %dma_start3A_419 = tpu.memref_slice %arg4[%add3A_401, %dma_start3A_418] : memref<102400x128xi32, #tpu.memory_space<hbm>> -> memref<16x128xi32, #tpu.memory_space<hbm>>
      %dma_start3A_420 = arith.constant 0 : i32
      %dma_start3A_421 = tpu.memref_slice %arg4[%add3A_401, %dma_start3A_420] : memref<102400x128xi32, #tpu.memory_space<hbm>> -> memref<16x128xi32, #tpu.memory_space<hbm>>
      tpu.enqueue_dma source(%arg13 : memref<16x128xi32, #tpu.memory_space<vmem>>) target(%dma_start3A_421 : memref<16x128xi32, #tpu.memory_space<hbm>>) target_semaphore(%arg21 : memref<!tpu.dma_semaphore, #tpu.memory_space<semaphore_mem>>)
      %add3A_422 = arith.constant 4 : i32
      %add3A_423 = arith.addi %add3A_374, %add3A_422 : i32
      %lt3A_424 = arith.cmpi slt, %add3A_423, %select_n3A_8 : i32
      %convert_element_type3A_425 = arith.extui %lt3A_424 : i1 to i32
      %cond3A_426 = arith.constant 0 : i32
      %cond3A_427 = arith.cmpi ne, %convert_element_type3A_425, %cond3A_426 : i32
      scf.if %cond3A_427 {
        %add3A_428 = arith.constant 4 : i32
        %add3A_429 = arith.addi %add3A_374, %add3A_428 : i32
        %mul3A_430 = arith.constant 2 : i32
        %mul3A_431 = arith.muli %add3A_429, %mul3A_430 : i32
        %mul3A_432 = arith.constant 128 : i32
        %mul3A_433 = arith.muli %mul3A_431, %mul3A_432 : i32
        %dma_start3A_434 = tpu.memref_slice %arg5[%mul3A_433] : memref<90112xi32, #tpu.memory_space<vmem>> -> memref<256xi32, #tpu.memory_space<vmem>>
        %dma_start3A_435 = arith.constant 0 : i32
        %dma_start3A_436 = arith.constant 0 : i32
        %dma_start3A_437 = tpu.memref_slice %arg2[%dma_start3A_435, %dma_start3A_436] : memref<50000x32xbf16, #tpu.memory_space<hbm>> -> memref<50000x32xbf16, #tpu.memory_space<hbm>>
        tpu.enqueue_indirect_dma source(%dma_start3A_437 : memref<50000x32xbf16, #tpu.memory_space<hbm>>) target(%arg12 : memref<256x32xbf16, #tpu.memory_space<vmem>>) offsets(%dma_start3A_434 : memref<256xi32, #tpu.memory_space<vmem>>) semaphore(%arg17 : memref<!tpu.dma_semaphore, #tpu.memory_space<semaphore_mem>>)
      } else {
      }
    }
    %sub3A_63 = arith.constant 4 : i32
    %sub3A_64 = arith.subi %select_n3A_8, %sub3A_63 : i32
    %add3A_65 = arith.constant 0 : i32
    %add3A_66 = arith.addi %sub3A_64, %add3A_65 : i32
    %jit3A_67 = arith.constant 8 : i32
    %div3A_68 = arith.divsi %select_n3A, %jit3A_67 : i32
    %sign3A_69 = arith.constant 0 : i32
    %sign3A_70 = arith.cmpi sgt, %select_n3A, %sign3A_69 : i32
    %sign3A_71 = arith.extui %sign3A_70 : i1 to i32
    %sign3A_72 = arith.constant 0 : i32
    %sign3A_73 = arith.cmpi slt, %select_n3A, %sign3A_72 : i32
    %sign3A_74 = arith.extui %sign3A_73 : i1 to i32
    %sign3A_75 = arith.subi %sign3A_71, %sign3A_74 : i32
    %sign3A_76 = arith.constant 0 : i32
    %sign3A_77 = arith.cmpi sgt, %jit3A_67, %sign3A_76 : i32
    %sign3A_78 = arith.extui %sign3A_77 : i1 to i32
    %sign3A_79 = arith.constant 0 : i32
    %sign3A_80 = arith.cmpi slt, %jit3A_67, %sign3A_79 : i32
    %sign3A_81 = arith.extui %sign3A_80 : i1 to i32
    %sign3A_82 = arith.subi %sign3A_78, %sign3A_81 : i32
    %ne3A_83 = arith.cmpi ne, %sign3A_75, %sign3A_82 : i32
    %rem3A_84 = arith.remsi %select_n3A, %jit3A_67 : i32
    %ne3A_85 = arith.constant 0 : i32
    %ne3A_86 = arith.cmpi ne, %rem3A_84, %ne3A_85 : i32
    %and3A_87 = arith.andi %ne3A_83, %ne3A_86 : i1
    %sub3A_88 = arith.constant 1 : i32
    %sub3A_89 = arith.subi %div3A_68, %sub3A_88 : i32
    %select_n3A_90 = arith.select %and3A_87, %sub3A_89, %div3A_68 : i32
    %mul3A_91 = arith.constant 16 : i32
    %mul3A_92 = arith.muli %add3A_66, %mul3A_91 : i32
    %add3A_93 = arith.addi %select_n3A_90, %mul3A_92 : i32
    %dma_wait3A = arith.constant 0 : i32
    %dma_wait3A_94 = tpu.memref_slice %arg4[%add3A_93, %dma_wait3A] : memref<102400x128xi32, #tpu.memory_space<hbm>> -> memref<16x128xi32, #tpu.memory_space<hbm>>
    %dma_wait3A_95 = arith.constant 0 : i32
    %dma_wait3A_96 = tpu.memref_slice %arg4[%add3A_93, %dma_wait3A_95] : memref<102400x128xi32, #tpu.memory_space<hbm>> -> memref<16x128xi32, #tpu.memory_space<hbm>>
    tpu.wait_dma2 semaphore(%arg18 : memref<!tpu.dma_semaphore, #tpu.memory_space<semaphore_mem>>) src(%arg7 : memref<16x128xi32, #tpu.memory_space<vmem>>) dst(%dma_wait3A_96 : memref<16x128xi32, #tpu.memory_space<hbm>>)
    %sub3A_97 = arith.constant 4 : i32
    %sub3A_98 = arith.subi %select_n3A_8, %sub3A_97 : i32
    %add3A_99 = arith.constant 1 : i32
    %add3A_100 = arith.addi %sub3A_98, %add3A_99 : i32
    %jit3A_101 = arith.constant 8 : i32
    %div3A_102 = arith.divsi %select_n3A, %jit3A_101 : i32
    %sign3A_103 = arith.constant 0 : i32
    %sign3A_104 = arith.cmpi sgt, %select_n3A, %sign3A_103 : i32
    %sign3A_105 = arith.extui %sign3A_104 : i1 to i32
    %sign3A_106 = arith.constant 0 : i32
    %sign3A_107 = arith.cmpi slt, %select_n3A, %sign3A_106 : i32
    %sign3A_108 = arith.extui %sign3A_107 : i1 to i32
    %sign3A_109 = arith.subi %sign3A_105, %sign3A_108 : i32
    %sign3A_110 = arith.constant 0 : i32
    %sign3A_111 = arith.cmpi sgt, %jit3A_101, %sign3A_110 : i32
    %sign3A_112 = arith.extui %sign3A_111 : i1 to i32
    %sign3A_113 = arith.constant 0 : i32
    %sign3A_114 = arith.cmpi slt, %jit3A_101, %sign3A_113 : i32
    %sign3A_115 = arith.extui %sign3A_114 : i1 to i32
    %sign3A_116 = arith.subi %sign3A_112, %sign3A_115 : i32
    %ne3A_117 = arith.cmpi ne, %sign3A_109, %sign3A_116 : i32
    %rem3A_118 = arith.remsi %select_n3A, %jit3A_101 : i32
    %ne3A_119 = arith.constant 0 : i32
    %ne3A_120 = arith.cmpi ne, %rem3A_118, %ne3A_119 : i32
    %and3A_121 = arith.andi %ne3A_117, %ne3A_120 : i1
    %sub3A_122 = arith.constant 1 : i32
    %sub3A_123 = arith.subi %div3A_102, %sub3A_122 : i32
    %select_n3A_124 = arith.select %and3A_121, %sub3A_123, %div3A_102 : i32
    %mul3A_125 = arith.constant 16 : i32
    %mul3A_126 = arith.muli %add3A_100, %mul3A_125 : i32
    %add3A_127 = arith.addi %select_n3A_124, %mul3A_126 : i32
    %dma_wait3A_128 = arith.constant 0 : i32
    %dma_wait3A_129 = tpu.memref_slice %arg4[%add3A_127, %dma_wait3A_128] : memref<102400x128xi32, #tpu.memory_space<hbm>> -> memref<16x128xi32, #tpu.memory_space<hbm>>
    %dma_wait3A_130 = arith.constant 0 : i32
    %dma_wait3A_131 = tpu.memref_slice %arg4[%add3A_127, %dma_wait3A_130] : memref<102400x128xi32, #tpu.memory_space<hbm>> -> memref<16x128xi32, #tpu.memory_space<hbm>>
    tpu.wait_dma2 semaphore(%arg19 : memref<!tpu.dma_semaphore, #tpu.memory_space<semaphore_mem>>) src(%arg9 : memref<16x128xi32, #tpu.memory_space<vmem>>) dst(%dma_wait3A_131 : memref<16x128xi32, #tpu.memory_space<hbm>>)
    %sub3A_132 = arith.constant 4 : i32
    %sub3A_133 = arith.subi %select_n3A_8, %sub3A_132 : i32
    %add3A_134 = arith.constant 2 : i32
    %add3A_135 = arith.addi %sub3A_133, %add3A_134 : i32
    %jit3A_136 = arith.constant 8 : i32
    %div3A_137 = arith.divsi %select_n3A, %jit3A_136 : i32
    %sign3A_138 = arith.constant 0 : i32
    %sign3A_139 = arith.cmpi sgt, %select_n3A, %sign3A_138 : i32
    %sign3A_140 = arith.extui %sign3A_139 : i1 to i32
    %sign3A_141 = arith.constant 0 : i32
    %sign3A_142 = arith.cmpi slt, %select_n3A, %sign3A_141 : i32
    %sign3A_143 = arith.extui %sign3A_142 : i1 to i32
    %sign3A_144 = arith.subi %sign3A_140, %sign3A_143 : i32
    %sign3A_145 = arith.constant 0 : i32
    %sign3A_146 = arith.cmpi sgt, %jit3A_136, %sign3A_145 : i32
    %sign3A_147 = arith.extui %sign3A_146 : i1 to i32
    %sign3A_148 = arith.constant 0 : i32
    %sign3A_149 = arith.cmpi slt, %jit3A_136, %sign3A_148 : i32
    %sign3A_150 = arith.extui %sign3A_149 : i1 to i32
    %sign3A_151 = arith.subi %sign3A_147, %sign3A_150 : i32
    %ne3A_152 = arith.cmpi ne, %sign3A_144, %sign3A_151 : i32
    %rem3A_153 = arith.remsi %select_n3A, %jit3A_136 : i32
    %ne3A_154 = arith.constant 0 : i32
    %ne3A_155 = arith.cmpi ne, %rem3A_153, %ne3A_154 : i32
    %and3A_156 = arith.andi %ne3A_152, %ne3A_155 : i1
    %sub3A_157 = arith.constant 1 : i32
    %sub3A_158 = arith.subi %div3A_137, %sub3A_157 : i32
    %select_n3A_159 = arith.select %and3A_156, %sub3A_158, %div3A_137 : i32
    %mul3A_160 = arith.constant 16 : i32
    %mul3A_161 = arith.muli %add3A_135, %mul3A_160 : i32
    %add3A_162 = arith.addi %select_n3A_159, %mul3A_161 : i32
    %dma_wait3A_163 = arith.constant 0 : i32
    %dma_wait3A_164 = tpu.memref_slice %arg4[%add3A_162, %dma_wait3A_163] : memref<102400x128xi32, #tpu.memory_space<hbm>> -> memref<16x128xi32, #tpu.memory_space<hbm>>
    %dma_wait3A_165 = arith.constant 0 : i32
    %dma_wait3A_166 = tpu.memref_slice %arg4[%add3A_162, %dma_wait3A_165] : memref<102400x128xi32, #tpu.memory_space<hbm>> -> memref<16x128xi32, #tpu.memory_space<hbm>>
    tpu.wait_dma2 semaphore(%arg20 : memref<!tpu.dma_semaphore, #tpu.memory_space<semaphore_mem>>) src(%arg11 : memref<16x128xi32, #tpu.memory_space<vmem>>) dst(%dma_wait3A_166 : memref<16x128xi32, #tpu.memory_space<hbm>>)
    %sub3A_167 = arith.constant 4 : i32
    %sub3A_168 = arith.subi %select_n3A_8, %sub3A_167 : i32
    %add3A_169 = arith.constant 3 : i32
    %add3A_170 = arith.addi %sub3A_168, %add3A_169 : i32
    %jit3A_171 = arith.constant 8 : i32
    %div3A_172 = arith.divsi %select_n3A, %jit3A_171 : i32
    %sign3A_173 = arith.constant 0 : i32
    %sign3A_174 = arith.cmpi sgt, %select_n3A, %sign3A_173 : i32
    %sign3A_175 = arith.extui %sign3A_174 : i1 to i32
    %sign3A_176 = arith.constant 0 : i32
    %sign3A_177 = arith.cmpi slt, %select_n3A, %sign3A_176 : i32
    %sign3A_178 = arith.extui %sign3A_177 : i1 to i32
    %sign3A_179 = arith.subi %sign3A_175, %sign3A_178 : i32
    %sign3A_180 = arith.constant 0 : i32
    %sign3A_181 = arith.cmpi sgt, %jit3A_171, %sign3A_180 : i32
    %sign3A_182 = arith.extui %sign3A_181 : i1 to i32
    %sign3A_183 = arith.constant 0 : i32
    %sign3A_184 = arith.cmpi slt, %jit3A_171, %sign3A_183 : i32
    %sign3A_185 = arith.extui %sign3A_184 : i1 to i32
    %sign3A_186 = arith.subi %sign3A_182, %sign3A_185 : i32
    %ne3A_187 = arith.cmpi ne, %sign3A_179, %sign3A_186 : i32
    %rem3A_188 = arith.remsi %select_n3A, %jit3A_171 : i32
    %ne3A_189 = arith.constant 0 : i32
    %ne3A_190 = arith.cmpi ne, %rem3A_188, %ne3A_189 : i32
    %and3A_191 = arith.andi %ne3A_187, %ne3A_190 : i1
    %sub3A_192 = arith.constant 1 : i32
    %sub3A_193 = arith.subi %div3A_172, %sub3A_192 : i32
    %select_n3A_194 = arith.select %and3A_191, %sub3A_193, %div3A_172 : i32
    %mul3A_195 = arith.constant 16 : i32
    %mul3A_196 = arith.muli %add3A_170, %mul3A_195 : i32
    %add3A_197 = arith.addi %select_n3A_194, %mul3A_196 : i32
    %dma_wait3A_198 = arith.constant 0 : i32
    %dma_wait3A_199 = tpu.memref_slice %arg4[%add3A_197, %dma_wait3A_198] : memref<102400x128xi32, #tpu.memory_space<hbm>> -> memref<16x128xi32, #tpu.memory_space<hbm>>
    %dma_wait3A_200 = arith.constant 0 : i32
    %dma_wait3A_201 = tpu.memref_slice %arg4[%add3A_197, %dma_wait3A_200] : memref<102400x128xi32, #tpu.memory_space<hbm>> -> memref<16x128xi32, #tpu.memory_space<hbm>>
    tpu.wait_dma2 semaphore(%arg21 : memref<!tpu.dma_semaphore, #tpu.memory_space<semaphore_mem>>) src(%arg13 : memref<16x128xi32, #tpu.memory_space<vmem>>) dst(%dma_wait3A_201 : memref<16x128xi32, #tpu.memory_space<hbm>>)
    return
  }
}

module attributes {stable_mosaic.version = 14 : i64} {
  func.func @body(%arg0: i32, %arg1: memref<3200x128xi32, #tpu.memory_space<vmem>>, %arg2: memref<8x3200xf32, #tpu.memory_space<vmem>>, %arg3: memref<128x256xf32, #tpu.memory_space<vmem>>, %arg4: memref<128x256xf32, #tpu.memory_space<vmem>>, %arg5: memref<1x256xf32, #tpu.memory_space<vmem>>, %arg6: memref<256x8xf32, #tpu.memory_space<vmem>>, %arg7: memref<1x1xf32, #tpu.memory_space<smem>>, %arg8: memref<1x1xf32, #tpu.memory_space<smem>>) attributes {dimension_semantics = [#tpu.dimension_semantics<arbitrary>], iteration_bounds = array<i64: 32>, scalar_prefetch = 0 : i64, scratch_operands = 0 : i64, tpu.core_type = #tpu.core_type<tc>, window_params = [{transform_indices = @transform_0, window_bounds = array<i64: 3200, 128>}, {transform_indices = @transform_1, window_bounds = array<i64: 8, 3200>}, {pipeline_mode = #tpu.pipeline_mode<synchronous>, transform_indices = @transform_2, window_bounds = array<i64: 128, 256>}, {pipeline_mode = #tpu.pipeline_mode<synchronous>, transform_indices = @transform_3, window_bounds = array<i64: 128, 256>}, {pipeline_mode = #tpu.pipeline_mode<synchronous>, transform_indices = @transform_4, window_bounds = array<i64: 1, 256>}, {pipeline_mode = #tpu.pipeline_mode<synchronous>, transform_indices = @transform_5, window_bounds = array<i64: 256, 8>}, {transform_indices = @transform_6, window_bounds = array<i64: 1, 1>}, {transform_indices = @transform_7, window_bounds = array<i64: 1, 1>}]} {
    %get3A = arith.constant 0 : index
    %get3A_0 = arith.constant 0 : index
    %get3A_1 = vector.load %arg1[%get3A, %get3A_0] : memref<3200x128xi32, #tpu.memory_space<vmem>>, vector<3200x128xi32>
    %shift_left3A = arith.constant 16 : i32
    %shift_left3A_2 = vector.broadcast %shift_left3A : i32 to vector<3200x128xi32>
    %shift_left3A_3 = arith.shli %get3A_1, %shift_left3A_2 : vector<3200x128xi32>
    %bitcast_convert_type3A = tpu.bitcast %shift_left3A_3 : vector<3200x128xi32> -> vector<3200x128xf32>
    %and3A = arith.constant -65536 : i32
    %and3A_4 = vector.broadcast %and3A : i32 to vector<3200x128xi32>
    %and3A_5 = arith.andi %get3A_1, %and3A_4 : vector<3200x128xi32>
    %bitcast_convert_type3A_6 = tpu.bitcast %and3A_5 : vector<3200x128xi32> -> vector<3200x128xf32>
    %get3A_7 = arith.constant 0 : index
    %get3A_8 = arith.constant 0 : index
    %get3A_9 = vector.load %arg3[%get3A_7, %get3A_8] : memref<128x256xf32, #tpu.memory_space<vmem>>, vector<128x256xf32>
    %dot_general3A = arith.constant dense<0.000000e+00> : vector<3200x256xf32>
    %dot_general3A_10 = tpu.matmul %bitcast_convert_type3A, %get3A_9, %dot_general3A {dimension_numbers = #tpu.dot_dimension_numbers<[1], [0], [0], [1], [0, 0, 1, 1], [], []>, transpose_lhs_hint = false} : vector<3200x128xf32>, vector<128x256xf32>, vector<3200x256xf32> -> vector<3200x256xf32>
    %get3A_11 = arith.constant 0 : index
    %get3A_12 = arith.constant 0 : index
    %get3A_13 = vector.load %arg4[%get3A_11, %get3A_12] : memref<128x256xf32, #tpu.memory_space<vmem>>, vector<128x256xf32>
    %dot_general3A_14 = arith.constant dense<0.000000e+00> : vector<3200x256xf32>
    %dot_general3A_15 = tpu.matmul %bitcast_convert_type3A_6, %get3A_13, %dot_general3A_14 {dimension_numbers = #tpu.dot_dimension_numbers<[1], [0], [0], [1], [0, 0, 1, 1], [], []>, transpose_lhs_hint = false} : vector<3200x128xf32>, vector<128x256xf32>, vector<3200x256xf32> -> vector<3200x256xf32>
    %add3A = arith.addf %dot_general3A_10, %dot_general3A_15 : vector<3200x256xf32>
    %get3A_16 = arith.constant 0 : index
    %get3A_17 = arith.constant 0 : index
    %get3A_18 = vector.load %arg5[%get3A_16, %get3A_17] : memref<1x256xf32, #tpu.memory_space<vmem>>, vector<1x256xf32>
    %add3A_19 = vector.broadcast %get3A_18 : vector<1x256xf32> to vector<3200x256xf32>
    %add3A_20 = arith.addf %add3A, %add3A_19 : vector<3200x256xf32>
    %max3A = arith.constant 0.000000e+00 : f32
    %max3A_21 = vector.broadcast %max3A : f32 to vector<3200x256xf32>
    %max3A_22 = arith.maximumf %add3A_20, %max3A_21 : vector<3200x256xf32>
    %get3A_23 = arith.constant 0 : index
    %get3A_24 = arith.constant 0 : index
    %get3A_25 = vector.load %arg6[%get3A_23, %get3A_24] : memref<256x8xf32, #tpu.memory_space<vmem>>, vector<256x8xf32>
    %dot_general3A_26 = arith.constant dense<0.000000e+00> : vector<3200x8xf32>
    %dot_general3A_27 = tpu.matmul %max3A_22, %get3A_25, %dot_general3A_26 {dimension_numbers = #tpu.dot_dimension_numbers<[1], [0], [0], [1], [0, 0, 1, 1], [], []>, transpose_lhs_hint = false} : vector<3200x256xf32>, vector<256x8xf32>, vector<3200x8xf32> -> vector<3200x8xf32>
    %transpose3A = tpu.transpose %dot_general3A_27, [1, 0] : vector<3200x8xf32> -> vector<8x3200xf32>
    %get3A_28 = arith.constant 0 : index
    %get3A_29 = arith.constant 0 : index
    %get3A_30 = memref.load %arg7[%get3A_28, %get3A_29] : memref<1x1xf32, #tpu.memory_space<smem>>
    %add3A_31 = vector.broadcast %get3A_30 : f32 to vector<8x3200xf32>
    %add3A_32 = arith.addf %transpose3A, %add3A_31 : vector<8x3200xf32>
    %ge3A = arith.constant 0.000000e+00 : f32
    %ge3A_33 = vector.broadcast %ge3A : f32 to vector<8x3200xf32>
    %ge3A_34 = arith.cmpf oge, %add3A_32, %ge3A_33 : vector<8x3200xf32>
    %neg3A = arith.constant 0.000000e+00 : f32
    %neg3A_35 = vector.broadcast %neg3A : f32 to vector<8x3200xf32>
    %neg3A_36 = arith.subf %neg3A_35, %add3A_32 : vector<8x3200xf32>
    %exp3A = math.exp %neg3A_36 : vector<8x3200xf32>
    %add3A_37 = arith.constant 1.000000e+00 : f32
    %add3A_38 = vector.broadcast %add3A_37 : f32 to vector<8x3200xf32>
    %add3A_39 = arith.addf %add3A_38, %exp3A : vector<8x3200xf32>
    %div3A = arith.constant 1.000000e+00 : f32
    %div3A_40 = vector.broadcast %div3A : f32 to vector<8x3200xf32>
    %div3A_41 = arith.divf %div3A_40, %add3A_39 : vector<8x3200xf32>
    %exp3A_42 = math.exp %add3A_32 : vector<8x3200xf32>
    %exp3A_43 = math.exp %add3A_32 : vector<8x3200xf32>
    %add3A_44 = arith.constant 1.000000e+00 : f32
    %add3A_45 = vector.broadcast %add3A_44 : f32 to vector<8x3200xf32>
    %add3A_46 = arith.addf %add3A_45, %exp3A_43 : vector<8x3200xf32>
    %div3A_47 = arith.divf %exp3A_42, %add3A_46 : vector<8x3200xf32>
    %select_n3A = arith.select %ge3A_34, %div3A_41, %div3A_47 : vector<8x3200xi1>, vector<8x3200xf32>
    %sub3A = arith.constant 1.000000e+00 : f32
    %sub3A_48 = vector.broadcast %sub3A : f32 to vector<8x3200xf32>
    %sub3A_49 = arith.subf %sub3A_48, %select_n3A : vector<8x3200xf32>
    %exp3A_50 = math.exp %select_n3A : vector<8x3200xf32>
    %exp3A_51 = math.exp %sub3A_49 : vector<8x3200xf32>
    %add3A_52 = arith.addf %exp3A_50, %exp3A_51 : vector<8x3200xf32>
    %log3A = math.log %add3A_52 : vector<8x3200xf32>
    %get3A_53 = arith.constant 0 : index
    %get3A_54 = arith.constant 0 : index
    %get3A_55 = vector.load %arg2[%get3A_53, %get3A_54] : memref<8x3200xf32, #tpu.memory_space<vmem>>, vector<8x3200xf32>
    %mul3A = arith.constant 2.000000e+00 : f32
    %mul3A_56 = vector.broadcast %mul3A : f32 to vector<8x3200xf32>
    %mul3A_57 = arith.mulf %mul3A_56, %select_n3A : vector<8x3200xf32>
    %sub3A_58 = arith.constant 1.000000e+00 : f32
    %sub3A_59 = vector.broadcast %sub3A_58 : f32 to vector<8x3200xf32>
    %sub3A_60 = arith.subf %sub3A_59, %mul3A_57 : vector<8x3200xf32>
    %mul3A_61 = arith.mulf %get3A_55, %sub3A_60 : vector<8x3200xf32>
    %add3A_62 = arith.addf %select_n3A, %mul3A_61 : vector<8x3200xf32>
    %sub3A_63 = arith.subf %log3A, %add3A_62 : vector<8x3200xf32>
    %iota3A = tpu.iota {dimensions = array<i32: 0>} : vector<8x3200xi32>
    %iota3A_64 = tpu.iota {dimensions = array<i32: 1>} : vector<8x3200xi32>
    %mul3A_65 = arith.constant 8 : i32
    %mul3A_66 = vector.broadcast %mul3A_65 : i32 to vector<8x3200xi32>
    %mul3A_67 = arith.muli %iota3A_64, %mul3A_66 : vector<8x3200xi32>
    %add3A_68 = arith.addi %iota3A, %mul3A_67 : vector<8x3200xi32>
    %mul3A_69 = arith.constant 3200 : i32
    %mul3A_70 = arith.muli %arg0, %mul3A_69 : i32
    %mul3A_71 = arith.constant 8 : i32
    %mul3A_72 = arith.muli %mul3A_70, %mul3A_71 : i32
    %add3A_73 = vector.broadcast %mul3A_72 : i32 to vector<8x3200xi32>
    %add3A_74 = arith.addi %add3A_68, %add3A_73 : vector<8x3200xi32>
    %lt3A = arith.constant 800000 : i32
    %lt3A_75 = vector.broadcast %lt3A : i32 to vector<8x3200xi32>
    %lt3A_76 = arith.cmpi slt, %add3A_74, %lt3A_75 : vector<8x3200xi32>
    %jit3A = arith.constant 0.000000e+00 : f32
    %broadcast_in_dim3A = vector.broadcast %jit3A : f32 to vector<8x3200xf32>
    %select_n3A_77 = arith.select %lt3A_76, %sub3A_63, %broadcast_in_dim3A : vector<8x3200xi1>, vector<8x3200xf32>
    %reduce_sum3A = vector.shape_cast %select_n3A_77 : vector<8x3200xf32> to vector<1x8x3200xf32>
    %reduce_sum3A_78 = arith.constant dense<0.000000e+00> : vector<1xf32>
    %reduce_sum3A_79 = vector.multi_reduction <add>, %reduce_sum3A, %reduce_sum3A_78 [1, 2] : vector<1x8x3200xf32> to vector<1xf32>
    %reduce_sum3A_80 = vector.shape_cast %reduce_sum3A_79 : vector<1xf32> to vector<1x1x1xf32>
    %reduce_sum3A_81 = vector.extract %reduce_sum3A_80[0, 0, 0] : f32 from vector<1x1x1xf32>
    %eq3A = arith.constant 0 : i32
    %eq3A_82 = arith.cmpi eq, %arg0, %eq3A : i32
    %convert_element_type3A = arith.extui %eq3A_82 : i1 to i32
    %cond3A = arith.constant 0 : i32
    %cond3A_83 = arith.cmpi ne, %convert_element_type3A, %cond3A : i32
    scf.if %cond3A_83 {
      %swap3A_90 = arith.constant 0.000000e+00 : f32
      %swap3A_91 = arith.constant 0 : index
      %swap3A_92 = arith.constant 0 : index
      %swap3A_93 = memref.load %arg8[%swap3A_91, %swap3A_92] : memref<1x1xf32, #tpu.memory_space<smem>>
      memref.store %swap3A_90, %arg8[%swap3A_91, %swap3A_92] : memref<1x1xf32, #tpu.memory_space<smem>>
    } else {
    }
    %get3A_84 = arith.constant 0 : index
    %get3A_85 = arith.constant 0 : index
    %get3A_86 = memref.load %arg8[%get3A_84, %get3A_85] : memref<1x1xf32, #tpu.memory_space<smem>>
    %add3A_87 = arith.addf %get3A_86, %reduce_sum3A_81 : f32
    %swap3A = arith.constant 0 : index
    %swap3A_88 = arith.constant 0 : index
    %swap3A_89 = memref.load %arg8[%swap3A, %swap3A_88] : memref<1x1xf32, #tpu.memory_space<smem>>
    memref.store %add3A_87, %arg8[%swap3A, %swap3A_88] : memref<1x1xf32, #tpu.memory_space<smem>>
    return
  }
  func.func @transform_0(%arg0: i32) -> (i32, i32) {
    %c0_i32 = arith.constant 0 : i32
    %c0_i32_0 = arith.constant 0 : i32
    return %arg0, %c0_i32 : i32, i32
  }
  func.func @transform_1(%arg0: i32) -> (i32, i32) {
    %c0_i32 = arith.constant 0 : i32
    %c0_i32_0 = arith.constant 0 : i32
    return %c0_i32, %arg0 : i32, i32
  }
  func.func @transform_2(%arg0: i32) -> (i32, i32) {
    %c0_i32 = arith.constant 0 : i32
    %c0_i32_0 = arith.constant 0 : i32
    %c0_i32_1 = arith.constant 0 : i32
    return %c0_i32, %c0_i32_0 : i32, i32
  }
  func.func @transform_3(%arg0: i32) -> (i32, i32) {
    %c0_i32 = arith.constant 0 : i32
    %c0_i32_0 = arith.constant 0 : i32
    %c0_i32_1 = arith.constant 0 : i32
    return %c0_i32, %c0_i32_0 : i32, i32
  }
  func.func @transform_4(%arg0: i32) -> (i32, i32) {
    %c0_i32 = arith.constant 0 : i32
    %c0_i32_0 = arith.constant 0 : i32
    %c0_i32_1 = arith.constant 0 : i32
    return %c0_i32, %c0_i32_0 : i32, i32
  }
  func.func @transform_5(%arg0: i32) -> (i32, i32) {
    %c0_i32 = arith.constant 0 : i32
    %c0_i32_0 = arith.constant 0 : i32
    %c0_i32_1 = arith.constant 0 : i32
    return %c0_i32, %c0_i32_0 : i32, i32
  }
  func.func @transform_6(%arg0: i32) -> (i32, i32) {
    %c0_i32 = arith.constant 0 : i32
    %c0_i32_0 = arith.constant 0 : i32
    %c0_i32_1 = arith.constant 0 : i32
    return %c0_i32, %c0_i32_0 : i32, i32
  }
  func.func @transform_7(%arg0: i32) -> (i32, i32) {
    %c0_i32 = arith.constant 0 : i32
    %c0_i32_0 = arith.constant 0 : i32
    %c0_i32_1 = arith.constant 0 : i32
    return %c0_i32, %c0_i32_0 : i32, i32
  }
}

</mosaic_0001>

<sc_bundles>
// kernel: kernel.4.cloned.1.call-start
scs
__scs_entry_jumppad:
0x0: {  	(pc) =	sbr.rel $0x88, $3  }
0x1: {  	(tag) =	ssettag $0x0;
	lr =	simm.s32 $0x1  }
0x2: {  	[smem:$0x3F9A] =	sst lr;
	_ =	strace $0xD0000000  }
0x3: {  	_ = 	snop  }
0x4: {  	_ = 	snop  }
0x5: {  	_ = 	snop  }
0x6: {  	_ = 	snop  }
0x7: {  	_ = 	snop  }
__scs_overlays_trampoline_lowered:
0x8: {  	[smem:$0x3FA9] =	sst s0  }
0x9: {  	[smem:$0x3FAA] =	sst s1  }
0xa: {  	[smem:$0x3FAB] =	sst s2  }
0xb: {  	[smem:$0x3FAC] =	sst s3  }
0xc: {  	[smem:$0x3FAD] =	sst s4  }
0xd: {  	[smem:$0x3FAE] =	sst s5  }
0xe: {  	[smem:$0x3FAF] =	sst s6  }
0xf: {  	[smem:$0x3FB0] =	sst s7  }
0x10: {  	[smem:$0x3FB1] =	sst s8  }
0x11: {  	[smem:$0x3FB2] =	sst s9;
	s0 =	simm.s32 @!p0 $0x0  }
0x12: {  	s1 =	sld [smem:$0x3F98];
	s0 =	simm.s32 @p0 $0x1  }
0x13: {  	[smem:$0x3FB3] =	sst s0;
	s0 =	simm.s32 @!p1 $0x0  }
0x14: {  	s2 =	sld [smem:$0x3F97];
	s0 =	simm.s32 @p1 $0x1  }
0x15: {  	[smem:$0x3FB4] =	sst s0;
	s0 =	simm.s32 @!p2 $0x0  }
0x16: {  	s3 =	sld [smem:$0x3FDB];
	s0 =	simm.s32 @p2 $0x1  }
0x17: {  	s4 =	simm.s32 $0x1BF5;
	[smem:$0x3FB6] =	sst s0  }
0x18: {  	s0 =	sld [smem:$0x3F99];
	_ =	swait.ge [sflag:s4], $0x0  }
0x19: {  	s7 =	sld [smem:$0x3F9A]  }
0x1a: {  	s8 =	sadd.s32 $0xFFFFE003, lr  }
0x1b: {  	s9 =	sadd.s32 $0xFFFFFEF7, lr;
	s5 =	simm.s32 $0xFFFFFFFF;
	p2 =	slt.u32 s8, $0xFFFFF086  }
0x1c: {  	p1 =	slt.u32 s9, $0xF7A;
	s5 =	simm.s32 @!p2 $0x0  }
0x1d: {  	s5 =	simm.s32 @p1 $0x1;
	p0 =	seq.s32 s7, s2  }
0x1e: {  	s7 =	smul.u32 @!p0 $0xF7A, s2;
	p2 =	seq.s32 @!p0 s5, $0x0  }
0x1f: {  	s9 =	smul.u32 $0xF7A, s1;
	s8 =	simm.s32 @!p0 $0x1BF5;
	p2 =	por !p2, p0  }
0x20: {  	[sflag:s8] =	ssyncset.s32 @!p0 $0xFFFFF086;
	s6 =	sadd.s32 @!p0 s3, s7;
	s7 =	simm.s32 @!p0 $0x108  }
0x21: {  	s3 =	sadd.s32 s3, s9;
	s6 =	sadd.s32 @!p0 $0x88, s6;
	s7 =	simm.s32 @p2 $0x1082  }
0x22: {  	[simem:s7], [sflag:s8] =	dma.local @!p0 [hbm:s6], $0xF7A  }
0x23: {  	s9 =	sor.u32 $0xD0000000, s2;
	s6 =	simm.s32 $0x108;
	_ =	swait.ge @!p0 [sflag:s8], $0x0  }
0x24: {  	s3 =	sadd.s32 $0x88, s3;
	s6 =	simm.s32 @!p1 $0x1082;
	[sflag:s4] =	ssyncset.s32 $0xFFFFF086  }
0x25: {  	[simem:s6], [sflag:s4] =	dma.local [hbm:s3], $0xF7A  }
0x26: {  	[smem:$0x3F9A] =	sst s1;
	(tag) =	ssettag s2;
	_ =	strace s9  }
0x27: {  	s1 =	sld [smem:$0x3FAA]  }
0x28: {  	s2 =	sld [smem:$0x3FAB]  }
0x29: {  	s4 =	sld [smem:$0x3FAD]  }
0x2a: {  	p0 =	seq.s32 s5, $0x0;
	s5 =	sld [smem:$0x3FAE]  }
0x2b: {  	s6 =	sld [smem:$0x3FAF]  }
0x2c: {  	s7 =	sld [smem:$0x3FB0]  }
0x2d: {  	s3 =	simm.s32 $0x108;
	s8 =	sld [smem:$0x3FB1]  }
0x2e: {  	s3 =	simm.s32 @!p0 $0x1082;
	s9 =	sld [smem:$0x3FB2]  }
0x2f: {  	lr =	sadd.s32 s0, s3;
	s0 =	sld [smem:$0x3FA9]  }
0x30: {  	s3 =	sld [smem:$0x3FAC]  }
0x31: {  	[smem:$0x3FB5] =	sst s10  }
0x32: {  	s10 =	sld [smem:$0x3FB3];
	_ =	sdelay $0x3  }
0x33: {  	p0 =	seq.s32 s10, $0x1;
	s10 =	sld [smem:$0x3FB5];
	_ =	sdelay $0x3  }
0x34: {  	[smem:$0x3FB5] =	sst s10  }
0x35: {  	s10 =	sld [smem:$0x3FB4];
	_ =	sdelay $0x3  }
0x36: {  	p1 =	seq.s32 s10, $0x1;
	s10 =	sld [smem:$0x3FB5];
	_ =	sdelay $0x3  }
0x37: {  	[smem:$0x3FB5] =	sst s10  }
0x38: {  	s10 =	sld [smem:$0x3FB6]  }
0x39: {  	_ = 	snop;
	(pc) =	sbr.ind lr, $3  }
0x3a: {  	_ = 	snop  }
0x3b: {  	_ = 	snop  }
0x3c: {  	p2 =	seq.s32 s10, $0x1;
	s10 =	sld [smem:$0x3FB5]  }
0x3d: {  	_ =	shalt  }
0x3e: {  	_ =	shalt  }
0x3f: {  	_ =	shalt  }
0x40: {  	_ =	shalt  }
0x41: {  	_ =	shalt  }
0x42: {  	_ =	shalt  }
0x43: {  	_ =	shalt  }
0x44: {  	_ =	shalt  }
0x45: {  	_ =	shalt  }
0x46: {  	_ =	shalt  }
0x47: {  	_ =	shalt  }
0x48: {  	_ =	shalt  }
0x49: {  	_ =	shalt  }
0x4a: {  	_ =	shalt  }
0x4b: {  	_ =	shalt  }
0x4c: {  	_ =	shalt  }
0x4d: {  	_ =	shalt  }
0x4e: {  	_ =	shalt  }
0x4f: {  	_ =	shalt  }
0x50: {  	_ =	shalt  }
0x51: {  	_ =	shalt  }
0x52: {  	_ =	shalt  }
0x53: {  	_ =	shalt  }
0x54: {  	_ =	shalt  }
0x55: {  	_ =	shalt  }
0x56: {  	_ =	shalt  }
0x57: {  	_ =	shalt  }
0x58: {  	_ =	shalt  }
0x59: {  	_ =	shalt  }
0x5a: {  	_ =	shalt  }
0x5b: {  	_ =	shalt  }
0x5c: {  	_ =	shalt  }
0x5d: {  	_ =	shalt  }
0x5e: {  	_ =	shalt  }
0x5f: {  	_ =	shalt  }
0x60: {  	_ =	shalt  }
0x61: {  	_ =	shalt  }
0x62: {  	_ =	shalt  }
0x63: {  	_ =	shalt  }
0x64: {  	_ =	shalt  }
0x65: {  	_ =	shalt  }
0x66: {  	_ =	shalt  }
0x67: {  	_ =	shalt  }
0x68: {  	_ =	shalt  }
0x69: {  	_ =	shalt  }
0x6a: {  	_ =	shalt  }
0x6b: {  	_ =	shalt  }
0x6c: {  	_ =	shalt  }
0x6d: {  	_ =	shalt  }
0x6e: {  	_ =	shalt  }
0x6f: {  	_ =	shalt  }
0x70: {  	_ =	shalt  }
0x71: {  	_ =	shalt  }
0x72: {  	_ =	shalt  }
0x73: {  	_ =	shalt  }
0x74: {  	_ =	shalt  }
0x75: {  	_ =	shalt  }
0x76: {  	_ =	shalt  }
0x77: {  	_ =	shalt  }
0x78: {  	_ =	shalt  }
0x79: {  	_ =	shalt  }
0x7a: {  	_ =	shalt  }
0x7b: {  	_ =	shalt  }
0x7c: {  	_ =	shalt  }
0x7d: {  	_ =	shalt  }
0x7e: {  	_ =	shalt  }
0x7f: {  	_ =	shalt  }
0x80: {  	_ =	shalt  }
0x81: {  	_ =	shalt  }
0x82: {  	_ =	shalt  }
0x83: {  	_ =	shalt  }
0x84: {  	_ =	shalt  }
0x85: {  	_ =	shalt  }
0x86: {  	_ =	shalt  }
0x87: {  	_ =	shalt  }
.Lfunc_end0:
.L_simem_size_0:
called_computation_lowered:
.L_overlay_start_0:
0x88: {  	s2 =	sld [smem:$0x3FD9]  }
0x89: {  	s3 =	sld [smem:$0x3FFE];
	_ =	sdelay $0x1  }
0x8a: {  	s1 =	srdreg.scid  }
0x8b: {  	s0 =	sand.u32 $0x1, s1  }
0x8c: {  	s16 =	sshll.u32 s0, $0xA;
	s2 =	sadd.s32 s3, s2  }
0x8d: {  	s2 =	sadd.s32 s2, s16  }
0x8e: {  	[smem:$0x3FC1] =	sst s2  }
0x8f: {  	_ = 	snop  }
0x90: {  	(tm) =	ssettm $0x1  }
0x91: {  	s17 =	sld [smem:$0x3FFB];
	_ =	sdelay $0x3  }
0x92: {  	_ =	strace s17  }
0x93: {  	s2 =	sld [smem:$0x3FFC];
	_ =	sdelay $0x3  }
0x94: {  	_ =	strace s2  }
0x95: {  	s2 =	sld [smem:$0x3FFD];
	_ =	sdelay $0x3  }
0x96: {  	_ =	strace s2  }
0x97: {  	_ =	strace $0x8FFFFFFF  }
0x98: {  	s18 =	sld [smem:$0x3FDB];
	_ =	sdelay $0x1  }
0x99: {  	s19 =	simm.s32 $_scs_section_size  }
0x9a: {  	s4 =	simm.s32 $_size__tile_overlayer_lowered;
	s5 =	simm.s32 $_tile_overlayer_lowered  }
0x9b: {  	s22 =	simm.s32 $0x1BFF;
	s21 =	sshll.u32 s5, $0x1;
	s2 =	sadd.s32 s19, s18  }
0x9c: {  	s6 =	simm.s32 $0x0;
	s20 =	sshll.u32 s4, $0x1;
	s4 =	sadd.s32 s21, s2  }
0x9d: {  	[timem:s6], [sflag:s22] =	dma.local [hbm:s4], s20  }
0x9e: {  	_ =	swait.ge [sflag:s22], s20  }
0x9f: {  	s3 =	ssub.s32 $0x0, s20;
	[sflag:s22] =	ssyncset.done $0x0  }
0xa0: {  	[sflag:s22] =	ssyncadd.s32 s3;
	_ =	sdelay $0x1  }
0xa1: {  	s23 =	simm.s32 $0x1B8B  }
0xa2: {  	_ =	swait.ge [sflag:s23], $0x1  }
0xa3: {  	[sflag:s23] =	ssyncset.done $0x0  }
0xa4: {  	s25 =	simm.s32 $0x1B8E;
	s24 =	sld [smem:$0x3FFE];
	[sflag:s23] =	ssyncadd.s32 $0xFFFFFFFF  }
0xa5: {  	s26 =	simm.s32 $execute0_lowered;
	[smem:$0x3FD2] =	sst s25  }
0xa6: {  	s4 =	sshll.u32 s26, $0x1;
	_ =	strace $0x80000046;
	[dreg:$0x1] =	wrdreg $0xFFFFFFFF  }
0xa7: {  	s28 =	simm.s32 $_size_execute0_lowered;
	s2 =	sadd.s32 s2, s4;
	[dreg:$0x0] =	wrdreg $0x0  }
0xa8: {  	s4 =	sshll.u32 s28, $0x1;
	[dreg:$0x2] =	wrdreg s2  }
0xa9: {  	[dreg:$0x3] =	wrdreg s4  }
0xaa: {  	[dreg:$0x4] =	wrdreg $0xC0  }
0xab: {  	_ =	task [dreg:s6], $0x5FFFF  }
0xac: {  	[dreg:$0x1] =	wrdreg $0xFFFFFFFF  }
0xad: {  	[dreg:$0x0] =	wrdreg $0x60  }
0xae: {  	[dreg:$0x2] =	wrdreg s24  }
0xaf: {  	[dreg:$0x3] =	wrdreg $0x9  }
0xb0: {  	_ =	task.clear_ibuf [dreg:s6], $0x4FFFF;
	_ =	strace $0x90000046  }
0xb1: {  	s29 =	simm.s32 $0x9;
	_ =	strace $0x80000048  }
0xb2: {  	_ =	swait.ge [sflag:s29], $0x1  }
0xb3: {  	[sflag:s29] =	ssyncadd.s32 $0xFFFFFFFF  }
0xb4: {  	_ =	strace $0x90000048  }
0xb5: {  	_ =	sfence  }
0xb6: {  	s30 =	sld [smem:$0x0];
	_ =	sdelay $0x2  }
0xb7: {  	s31 =	sshll.u32 s1, $0xD;
	s1 =	sshrl.u32 s1, $0x2  }
0xb8: {  	s3 =	sand.u32 $0x4000, s31;
	s1 =	sadd.s32 s1, s30  }
0xb9: {  	s0 =	sor.u32 s3, s0;
	s1 =	sshll.u32 s1, $0x11  }
0xba: {  	s0 =	sor.u32 s1, s0  }
0xbb: {  	s0 =	sadd.s32 $0x8F2B, s0  }
0xbc: {  	[sflag:s0] =	ssyncadd.remote.s32 $0x1  }
0xbd: {  	_ =	sfence.sel $0xFFFF  }
0xbe: {  	[dreg:$0x0] =	wrdreg $0xFFFFFFFF;
	(pc) =	sbr.abs _section_cstart, $3  }
0xbf: {  	[dreg:$0x1] =	wrdreg $0xFFFFFFFF  }
0xc0: {  	_ =	task.clear_ibuf [dreg:s6], $0x2FFFF;
	_ =	strace $0x9FFFFFFF  }
0xc1: {  	(tm) =	ssettm $0x7FFFFFFF  }
tec
execute0_lowered:
.L_overlay_start_1:
0x0: {  	(tag) =	ssettag $0x1  }
0x1: {  	s0 =	rddreg [dreg:$0x0];
	s2 =	simm.s32 $0x0;
	s1 =	srdreg.scid  }
0x2: {  	s8 =	stileid.u32;
	s14 =	simm.s32 $0x100;
	s21 =	simm.s32 $0x1  }
0x3: {  	s22 =	simm.s32 $0x17000;
	s23 =	simm.s32 $0x2;
	s24 =	simm.s32 $0x18800  }
0x4: {  	s28 =	simm.s32 $0x4;
	s29 =	simm.s32 $0x1B800;
	s30 =	simm.s32 $0x5  }
0x5: {  	s31 =	simm.s32 $0x6;
	s15 =	simm.s32 $0x0;
	[smem:$0x7FF] =	sst s2  }
0x6: {  	s1 =	sand.u32 $0x1, s1;
	s3 =	sadd.s32 $0x1A00, s0;
	s6 =	smul.u32 $0x1800, s8  }
0x7: {  	s7 =	sadd.s32 $0x1A200, s0;
	s4 =	sadd.s32 $0x4C200, s0;
	s5 =	ssub.s32 $0x2, s1  }
0x8: {  	s8 =	smul.u32 $0xB000, s8;
	_ =	strace $0x80000047;
	s25 =	sshrl.u32 s5, $0x1  }
0x9: {  	p0 =	seq.s32 s1, $0x0;
	s6 =	sadd.s32 $0xB0000, s6;
	s0 =	ssub.s32 s5, s25  }
0xa: {  	s9 =	sshrl.u32 s6, $0x2;
	s5 =	simm.s32 $0x160;
	s6 =	smov.u32 @p0 s8  }
0xb: {  	s8 =	sshrl.u32 s8, $0x2;
	s25 =	simm.s32 $0x3;
	s5 =	simm.s32 @!p0 $0x30  }
0xc: {  	s9 =	sadd.s32 s7, s9;
	s7 =	sadd.s32 s7, s8;
	s26 =	sshrl.u32 s6, $0x3  }
0xd: {  	s13 =	smax.u32 s0, $0x1;
	p0 =	sne.s32 s1, $0x0;
	[dreg:$0x2] =	wrdreg s9  }
0xe: {  	s0 =	simm.s32 $0x7;
	s1 =	simm.s32 $0x8;
	[dreg:$0x3] =	wrdreg s7  }
0xf: {  	s8 =	sshrl.u32 s5, $0x2;
	s9 =	sshll.u32 s6, $0x4;
	s10 =	sor.u32 $0x10, s26  }
0x10: {  	s11 =	sor.u32 $0x20, s26;
	s12 =	sor.u32 $0x30, s26;
	s26 =	simm.s32 $0x1A000  }
.LBB2_1:
0x11: {  	s6 =	simm.s32 @p0 $0x0;
	s7 =	rddreg [dreg:$0x2]  }
0x12: {  	[tilespmem:s6], [sflag:$0x9] =	stream.linear.gather @p0 [hbm4b:s7+s6], $0x3000, $0x38;
	[tilespmem:$0x1C000] =	vst v63  }
0x13: {  	s6 =	simm.s32 @p0 $0x9  }
0x14: {  	_ =	swait.ge @p0 [sflag:s6], $0x3000  }
0x15: {  	[sflag:s6] =	ssyncset.done @p0 $0x0  }
0x16: {  	s7 =	rddreg [dreg:$0x3];
	[sflag:s6] =	ssyncadd.s32 @p0 $0xFFFFD000;
	s6 =	simm.s32 @!p0 $0x0  }
0x17: {  	[tilespmem:s6], [sflag:$0x9] =	stream.linear.gather @!p0 [hbm4b:s7+s6], $0x16000, $0x38;
	[tilespmem:$0x1C000] =	vst v63  }
0x18: {  	s6 =	simm.s32 @!p0 $0x9  }
0x19: {  	_ =	swait.ge @!p0 [sflag:s6], $0x16000  }
0x1a: {  	[sflag:s6] =	ssyncset.done @!p0 $0x0  }
0x1b: {  	s7 =	simm.s32 $0x16000;
	[sflag:s6] =	ssyncadd.s32 @!p0 $0xFFFEA000  }
0x1c: {  	[tilespmem:s7], [sflag:$0x1] =	stream.indirect.gather [hbm4b:s3+s14], $0x10, s2, s14, $0xb8;
	[tilespmem:$0x1C000] =	vst v63  }
0x1d: {  	s16 =	simm.s32 $0x17800  }
0x1e: {  	[tilespmem:s16], [sflag:$0x2] =	stream.indirect.gather [hbm4b:s3+s14], $0x10, s14, s14, $0xb8;
	[tilespmem:$0x1C000] =	vst v63  }
0x1f: {  	s17 =	simm.s32 $0x200;
	s18 =	simm.s32 $0x19000  }
0x20: {  	[tilespmem:s18], [sflag:$0x3] =	stream.indirect.gather [hbm4b:s3+s14], $0x10, s17, s14, $0xb8;
	[tilespmem:$0x1C000] =	vst v63  }
0x21: {  	s19 =	simm.s32 $0x300;
	s20 =	simm.s32 $0x1A800;
	s16 =	simm.s32 $0x0  }
0x22: {  	[tilespmem:s20], [sflag:$0x4] =	stream.indirect.gather [hbm4b:s3+s14], $0x10, s19, s14, $0xb8;
	[tilespmem:$0x1C000] =	vst v63  }
.LBB2_2:
0x23: {  	p1 =	seq.s32 s16, $0x0  }
0x24: {  	s6 =	simm.s32 @!p1 $0x5  }
0x25: {  	_ =	swait.ge @!p1 [sflag:s6], $0x800  }
0x26: {  	[sflag:s6] =	ssyncset.done @!p1 $0x0  }
0x27: {  	[sflag:s6] =	ssyncadd.s32 @!p1 $0xFFFFF800  }
0x28: {  	_ =	swait.ge [sflag:s21], $0x1000  }
0x29: {  	[sflag:s21] =	ssyncset.done $0x0  }
0x2a: {  	s20 =	simm.s32 $0x16800;
	[sflag:s21] =	ssyncadd.s32 $0xFFFFF000  }
0x2b: {  	v1 =	vld [tilespmem:s20+$0xFFFFF870]  }
0x2c: {  	v2 =	vld [tilespmem:s20+$0x70]  }
0x2d: {  	v0 =	vld [tilespmem:s20+$0x0]  }
0x2e: {  	v3 =	vld [tilespmem:s20+$0xFFFFF810]  }
0x2f: {  	v4 =	vld [tilespmem:s20+$0x10]  }
0x30: {  	v5 =	vld [tilespmem:s20+$0xFFFFF820]  }
0x31: {  	v6 =	vld [tilespmem:s20+$0x20]  }
0x32: {  	v7 =	vld [tilespmem:s20+$0xFFFFF830]  }
0x33: {  	v8 =	vld [tilespmem:s20+$0x30]  }
0x34: {  	v9 =	vld [tilespmem:s20+$0xFFFFF840]  }
0x35: {  	v10 =	vld [tilespmem:s20+$0x40];
	v2 =	vmul.bf16 v2, v1  }
0x36: {  	s18 =	simm.s32 $0x17040;
	v4 =	vmul.bf16 v4, v3;
	v1 =	vld [tilespmem:s20+$0xFFFFF850]  }
0x37: {  	v5 =	vmul.bf16 v6, v5;
	v3 =	vld [tilespmem:s20+$0x50];
	[tilespmem:s18+$0x30] =	vst v2  }
0x38: {  	v6 =	vmul.bf16 v8, v7;
	[tilespmem:s18+$0xFFFFFFD0] =	vst v4;
	v2 =	vld [tilespmem:s20+$0xFFFFF860]  }
0x39: {  	[tilespmem:s18+$0xFFFFFFE0] =	vst v5;
	v5 =	vld [tilespmem:s20+$0x60]  }
0x3a: {  	s17 =	sshll.u32 s16, $0x2;
	s19 =	simm.s32 $0x0;
	s6 =	simm.s32 $0x16880;
	v4 =	vld [tilespmem:s20+$0xFFFFF800];
	[tilespmem:s18+$0xFFFFFFF0] =	vst v6;
	v6 =	vmul.bf16 v10, v9  }
.LBB2_3:
0x3b: {  	v7 =	vld [tilespmem:s6+$0xFFFFF870]  }
0x3c: {  	s19 =	sadd.s32 $0x8, s19;
	v8 =	vld [tilespmem:s6+$0x70];
	[tilespmem:s18+$0x0] =	vst v6;
	v1 =	vmul.bf16 v3, v1  }
0x3d: {  	p2 =	slt.u32 s19, $0x78;
	v3 =	vld [tilespmem:s6+$0x0]  }
0x3e: {  	v6 =	vld [tilespmem:s6+$0xFFFFF810];
	[tilespmem:s18+$0x10] =	vst v1;
	v1 =	vmul.bf16 v5, v2  }
0x3f: {  	v2 =	vld [tilespmem:s6+$0x10];
	v9 =	vmul.bf16 v0, v4  }
0x40: {  	v4 =	vld [tilespmem:s6+$0xFFFFF820];
	[tilespmem:s18+$0x20] =	vst v1  }
0x41: {  	v1 =	vld [tilespmem:s6+$0x20];
	v5 =	vmul.bf16 v8, v7;
	[tilespmem:s18+$0xFFFFFFC0] =	vst v9  }
0x42: {  	s18 =	sadd.s32 $0x80, s18;
	v7 =	vld [tilespmem:s6+$0xFFFFF830];
	v0 =	vmov v3  }
0x43: {  	v8 =	vld [tilespmem:s6+$0x30];
	[tilespmem:s18+$0x30] =	vst v5  }
0x44: {  	v2 =	vmul.bf16 v2, v6;
	v6 =	vld [tilespmem:s6+$0xFFFFF840]  }
0x45: {  	v9 =	vld [tilespmem:s6+$0x40]  }
.Ltmp0:
0x46: {  	[tilespmem:s18+$0xFFFFFFD0] =	vst v2;
	v2 =	vmul.bf16 v1, v4;
	v1 =	vld [tilespmem:s6+$0xFFFFF850];
	(pc) =	sbr.rel @p2 .LBB2_3-.Ltmp0, $4  }
0x47: {  	v3 =	vld [tilespmem:s6+$0x50]  }
0x48: {  	[tilespmem:s18+$0xFFFFFFE0] =	vst v2;
	v7 =	vmul.bf16 v8, v7;
	v2 =	vld [tilespmem:s6+$0xFFFFF860]  }
0x49: {  	v5 =	vld [tilespmem:s6+$0x60]  }
0x4a: {  	v4 =	vld [tilespmem:s6+$0xFFFFF800];
	[tilespmem:s18+$0xFFFFFFF0] =	vst v7;
	v6 =	vmul.bf16 v9, v6;
	s6 =	sadd.s32 $0x80, s6  }
0x4b: {  	_ =	sdelay $0x1  }
0x4c: {  	v1 =	vmul.bf16 v3, v1  }
0x4d: {  	s6 =	sshll.u32 s16, $0xD;
	[tilespmem:s18+$0x0] =	vst v6;
	v2 =	vmul.bf16 v5, v2  }
0x4e: {  	s6 =	sadd.s32 s9, s6;
	[tilespmem:s18+$0x10] =	vst v1;
	v0 =	vmul.bf16 v0, v4  }
0x4f: {  	s6 =	sshrl.u32 s6, $0x3;
	[tilespmem:s18+$0x20] =	vst v2  }
0x50: {  	s6 =	sadd.s32 s4, s6;
	[tilespmem:s18+$0xFFFFFFC0] =	vst v0  }
0x51: {  	[hbm4b:s6+s2] =	stream.linear.scatter [tilespmem:s22], [sflag:$0x5], $0x800, $0x38;
	[tilespmem:$0x1C000] =	vst v63  }
0x52: {  	s6 =	sadd.s32 $0x4, s17  }
0x53: {  	p2 =	sge.u32 s6, s5  }
0x54: {  	s6 =	sshll.u32 @!p2 s6, $0x8  }
0x55: {  	s7 =	simm.s32 @!p2 $0x100;
	s18 =	simm.s32 @!p2 $0x16000;
	s6 =	sand.u32 @!p2 $0x3FFFFF00, s6  }
0x56: {  	[tilespmem:s18], [sflag:$0x1] =	stream.indirect.gather @!p2 [hbm4b:s3+s7], $0x10, s6, s7, $0xb8;
	[tilespmem:$0x1C000] =	vst v63  }
0x57: {  	s6 =	simm.s32 @!p1 $0x6  }
0x58: {  	_ =	swait.ge @!p1 [sflag:s6], $0x800  }
0x59: {  	[sflag:s6] =	ssyncset.done @!p1 $0x0  }
0x5a: {  	[sflag:s6] =	ssyncadd.s32 @!p1 $0xFFFFF800  }
0x5b: {  	_ =	swait.ge [sflag:s23], $0x1000  }
0x5c: {  	[sflag:s23] =	ssyncset.done $0x0  }
0x5d: {  	s7 =	simm.s32 $0x18000;
	[sflag:s23] =	ssyncadd.s32 $0xFFFFF000  }
0x5e: {  	v1 =	vld [tilespmem:s7+$0xFFFFF870]  }
0x5f: {  	v2 =	vld [tilespmem:s7+$0x70]  }
0x60: {  	v0 =	vld [tilespmem:s7+$0x0]  }
0x61: {  	v3 =	vld [tilespmem:s7+$0xFFFFF810]  }
0x62: {  	v4 =	vld [tilespmem:s7+$0x10]  }
0x63: {  	v5 =	vld [tilespmem:s7+$0xFFFFF820]  }
0x64: {  	v6 =	vld [tilespmem:s7+$0x20]  }
0x65: {  	v7 =	vld [tilespmem:s7+$0xFFFFF830]  }
0x66: {  	v8 =	vld [tilespmem:s7+$0x30]  }
0x67: {  	v9 =	vld [tilespmem:s7+$0xFFFFF840]  }
0x68: {  	v10 =	vld [tilespmem:s7+$0x40];
	v2 =	vmul.bf16 v2, v1  }
0x69: {  	s19 =	simm.s32 $0x18840;
	v4 =	vmul.bf16 v4, v3;
	v1 =	vld [tilespmem:s7+$0xFFFFF850]  }
0x6a: {  	v5 =	vmul.bf16 v6, v5;
	v3 =	vld [tilespmem:s7+$0x50];
	[tilespmem:s19+$0x30] =	vst v2  }
0x6b: {  	v6 =	vmul.bf16 v8, v7;
	[tilespmem:s19+$0xFFFFFFD0] =	vst v4;
	v2 =	vld [tilespmem:s7+$0xFFFFF860]  }
0x6c: {  	s18 =	sshll.u32 s16, $0x6;
	[tilespmem:s19+$0xFFFFFFE0] =	vst v5;
	v4 =	vld [tilespmem:s7+$0x60]  }
0x6d: {  	s20 =	sadd.s32 s18, s10;
	s6 =	simm.s32 $0x0;
	v5 =	vld [tilespmem:s7+$0xFFFFF800];
	[tilespmem:s19+$0xFFFFFFF0] =	vst v6;
	v6 =	vmul.bf16 v10, v9;
	s7 =	simm.s32 $0x18080  }
.LBB2_5:
0x6e: {  	v7 =	vld [tilespmem:s7+$0xFFFFF870]  }
0x6f: {  	s6 =	sadd.s32 $0x8, s6;
	v8 =	vld [tilespmem:s7+$0x70];
	[tilespmem:s19+$0x0] =	vst v6;
	v1 =	vmul.bf16 v3, v1  }
0x70: {  	p2 =	slt.u32 s6, $0x78;
	v3 =	vld [tilespmem:s7+$0x0]  }
0x71: {  	v6 =	vld [tilespmem:s7+$0xFFFFF810];
	[tilespmem:s19+$0x10] =	vst v1;
	v1 =	vmul.bf16 v4, v2  }
0x72: {  	v2 =	vld [tilespmem:s7+$0x10];
	v9 =	vmul.bf16 v0, v5  }
0x73: {  	v4 =	vld [tilespmem:s7+$0xFFFFF820];
	[tilespmem:s19+$0x20] =	vst v1  }
0x74: {  	v1 =	vld [tilespmem:s7+$0x20];
	v5 =	vmul.bf16 v8, v7;
	[tilespmem:s19+$0xFFFFFFC0] =	vst v9  }
0x75: {  	s19 =	sadd.s32 $0x80, s19;
	v7 =	vld [tilespmem:s7+$0xFFFFF830];
	v0 =	vmov v3  }
0x76: {  	v8 =	vld [tilespmem:s7+$0x30];
	[tilespmem:s19+$0x30] =	vst v5  }
0x77: {  	v2 =	vmul.bf16 v2, v6;
	v6 =	vld [tilespmem:s7+$0xFFFFF840]  }
0x78: {  	v9 =	vld [tilespmem:s7+$0x40]  }
.Ltmp1:
0x79: {  	[tilespmem:s19+$0xFFFFFFD0] =	vst v2;
	v2 =	vmul.bf16 v1, v4;
	v1 =	vld [tilespmem:s7+$0xFFFFF850];
	(pc) =	sbr.rel @p2 .LBB2_5-.Ltmp1, $4  }
0x7a: {  	v3 =	vld [tilespmem:s7+$0x50]  }
0x7b: {  	[tilespmem:s19+$0xFFFFFFE0] =	vst v2;
	v7 =	vmul.bf16 v8, v7;
	v2 =	vld [tilespmem:s7+$0xFFFFF860]  }
0x7c: {  	v4 =	vld [tilespmem:s7+$0x60]  }
0x7d: {  	v5 =	vld [tilespmem:s7+$0xFFFFF800];
	[tilespmem:s19+$0xFFFFFFF0] =	vst v7;
	v6 =	vmul.bf16 v9, v6;
	s7 =	sadd.s32 $0x80, s7  }
0x7e: {  	_ =	sdelay $0x1  }
0x7f: {  	v1 =	vmul.bf16 v3, v1  }
0x80: {  	[tilespmem:s19+$0x0] =	vst v6;
	v2 =	vmul.bf16 v4, v2  }
0x81: {  	[tilespmem:s19+$0x10] =	vst v1;
	v0 =	vmul.bf16 v0, v5  }
0x82: {  	s6 =	sshll.u32 s20, $0x4;
	[tilespmem:s19+$0x20] =	vst v2  }
0x83: {  	s6 =	sadd.s32 s4, s6;
	[tilespmem:s19+$0xFFFFFFC0] =	vst v0  }
0x84: {  	[hbm4b:s6+s2] =	stream.linear.scatter [tilespmem:s24], [sflag:$0x6], $0x800, $0x38;
	[tilespmem:$0x1C000] =	vst v63  }
0x85: {  	s6 =	sadd.s32 $0x5, s17  }
0x86: {  	p2 =	sge.u32 s6, s5  }
0x87: {  	s6 =	sshll.u32 @!p2 s6, $0x8  }
0x88: {  	s7 =	simm.s32 @!p2 $0x100;
	s19 =	simm.s32 @!p2 $0x17800;
	s6 =	sand.u32 @!p2 $0x3FFFFF00, s6  }
0x89: {  	[tilespmem:s19], [sflag:$0x2] =	stream.indirect.gather @!p2 [hbm4b:s3+s7], $0x10, s6, s7, $0xb8;
	[tilespmem:$0x1C000] =	vst v63  }
0x8a: {  	s6 =	simm.s32 @!p1 $0x7  }
0x8b: {  	_ =	swait.ge @!p1 [sflag:s6], $0x800  }
0x8c: {  	[sflag:s6] =	ssyncset.done @!p1 $0x0  }
0x8d: {  	[sflag:s6] =	ssyncadd.s32 @!p1 $0xFFFFF800  }
0x8e: {  	_ =	swait.ge [sflag:s25], $0x1000  }
0x8f: {  	[sflag:s25] =	ssyncset.done $0x0  }
0x90: {  	s7 =	simm.s32 $0x19800;
	[sflag:s25] =	ssyncadd.s32 $0xFFFFF000  }
0x91: {  	v1 =	vld [tilespmem:s7+$0xFFFFF870]  }
0x92: {  	v2 =	vld [tilespmem:s7+$0x70]  }
0x93: {  	v0 =	vld [tilespmem:s7+$0x0]  }
0x94: {  	v3 =	vld [tilespmem:s7+$0xFFFFF810]  }
0x95: {  	v4 =	vld [tilespmem:s7+$0x10]  }
0x96: {  	v5 =	vld [tilespmem:s7+$0xFFFFF820]  }
0x97: {  	v6 =	vld [tilespmem:s7+$0x20]  }
0x98: {  	v7 =	vld [tilespmem:s7+$0xFFFFF830]  }
0x99: {  	v8 =	vld [tilespmem:s7+$0x30]  }
0x9a: {  	v9 =	vld [tilespmem:s7+$0xFFFFF840]  }
0x9b: {  	v10 =	vld [tilespmem:s7+$0x40];
	v2 =	vmul.bf16 v2, v1  }
0x9c: {  	s19 =	simm.s32 $0x1A040;
	v4 =	vmul.bf16 v4, v3;
	v1 =	vld [tilespmem:s7+$0xFFFFF850]  }
0x9d: {  	v5 =	vmul.bf16 v6, v5;
	v3 =	vld [tilespmem:s7+$0x50];
	[tilespmem:s19+$0x30] =	vst v2  }
0x9e: {  	v6 =	vmul.bf16 v8, v7;
	[tilespmem:s19+$0xFFFFFFD0] =	vst v4;
	v2 =	vld [tilespmem:s7+$0xFFFFF860]  }
0x9f: {  	[tilespmem:s19+$0xFFFFFFE0] =	vst v5;
	v4 =	vld [tilespmem:s7+$0x60]  }
0xa0: {  	s20 =	sadd.s32 s18, s11;
	s6 =	simm.s32 $0x0;
	v5 =	vld [tilespmem:s7+$0xFFFFF800];
	[tilespmem:s19+$0xFFFFFFF0] =	vst v6;
	v6 =	vmul.bf16 v10, v9;
	s7 =	simm.s32 $0x19880  }
.LBB2_7:
0xa1: {  	v7 =	vld [tilespmem:s7+$0xFFFFF870]  }
0xa2: {  	s6 =	sadd.s32 $0x8, s6;
	v8 =	vld [tilespmem:s7+$0x70];
	[tilespmem:s19+$0x0] =	vst v6;
	v1 =	vmul.bf16 v3, v1  }
0xa3: {  	p2 =	slt.u32 s6, $0x78;
	v3 =	vld [tilespmem:s7+$0x0]  }
0xa4: {  	v6 =	vld [tilespmem:s7+$0xFFFFF810];
	[tilespmem:s19+$0x10] =	vst v1;
	v1 =	vmul.bf16 v4, v2  }
0xa5: {  	v2 =	vld [tilespmem:s7+$0x10];
	v9 =	vmul.bf16 v0, v5  }
0xa6: {  	v4 =	vld [tilespmem:s7+$0xFFFFF820];
	[tilespmem:s19+$0x20] =	vst v1  }
0xa7: {  	v1 =	vld [tilespmem:s7+$0x20];
	v5 =	vmul.bf16 v8, v7;
	[tilespmem:s19+$0xFFFFFFC0] =	vst v9  }
0xa8: {  	s19 =	sadd.s32 $0x80, s19;
	v7 =	vld [tilespmem:s7+$0xFFFFF830];
	v0 =	vmov v3  }
0xa9: {  	v8 =	vld [tilespmem:s7+$0x30];
	[tilespmem:s19+$0x30] =	vst v5  }
0xaa: {  	v2 =	vmul.bf16 v2, v6;
	v6 =	vld [tilespmem:s7+$0xFFFFF840]  }
0xab: {  	v9 =	vld [tilespmem:s7+$0x40]  }
.Ltmp2:
0xac: {  	[tilespmem:s19+$0xFFFFFFD0] =	vst v2;
	v2 =	vmul.bf16 v1, v4;
	v1 =	vld [tilespmem:s7+$0xFFFFF850];
	(pc) =	sbr.rel @p2 .LBB2_7-.Ltmp2, $4  }
0xad: {  	v3 =	vld [tilespmem:s7+$0x50]  }
0xae: {  	[tilespmem:s19+$0xFFFFFFE0] =	vst v2;
	v7 =	vmul.bf16 v8, v7;
	v2 =	vld [tilespmem:s7+$0xFFFFF860]  }
0xaf: {  	v4 =	vld [tilespmem:s7+$0x60]  }
0xb0: {  	v5 =	vld [tilespmem:s7+$0xFFFFF800];
	[tilespmem:s19+$0xFFFFFFF0] =	vst v7;
	v6 =	vmul.bf16 v9, v6;
	s7 =	sadd.s32 $0x80, s7  }
0xb1: {  	_ =	sdelay $0x1  }
0xb2: {  	v1 =	vmul.bf16 v3, v1  }
0xb3: {  	[tilespmem:s19+$0x0] =	vst v6;
	v2 =	vmul.bf16 v4, v2  }
0xb4: {  	[tilespmem:s19+$0x10] =	vst v1;
	v0 =	vmul.bf16 v0, v5  }
0xb5: {  	s6 =	sshll.u32 s20, $0x4;
	[tilespmem:s19+$0x20] =	vst v2  }
0xb6: {  	s6 =	sadd.s32 s4, s6;
	[tilespmem:s19+$0xFFFFFFC0] =	vst v0  }
0xb7: {  	[hbm4b:s6+s2] =	stream.linear.scatter [tilespmem:s26], [sflag:$0x7], $0x800, $0x38;
	[tilespmem:$0x1C000] =	vst v63  }
0xb8: {  	s6 =	sadd.s32 $0x6, s17  }
0xb9: {  	p2 =	sge.u32 s6, s5  }
0xba: {  	s6 =	sshll.u32 @!p2 s6, $0x8  }
0xbb: {  	s7 =	simm.s32 @!p2 $0x100;
	s19 =	simm.s32 @!p2 $0x19000;
	s6 =	sand.u32 @!p2 $0x3FFFFF00, s6  }
0xbc: {  	[tilespmem:s19], [sflag:$0x3] =	stream.indirect.gather @!p2 [hbm4b:s3+s7], $0x10, s6, s7, $0xb8;
	[tilespmem:$0x1C000] =	vst v63  }
0xbd: {  	s6 =	simm.s32 @!p1 $0x8  }
0xbe: {  	_ =	swait.ge @!p1 [sflag:s6], $0x800  }
0xbf: {  	[sflag:s6] =	ssyncset.done @!p1 $0x0  }
0xc0: {  	[sflag:s6] =	ssyncadd.s32 @!p1 $0xFFFFF800  }
0xc1: {  	_ =	swait.ge [sflag:s28], $0x1000  }
0xc2: {  	[sflag:s28] =	ssyncset.done $0x0  }
0xc3: {  	s20 =	simm.s32 $0x1B000;
	[sflag:s28] =	ssyncadd.s32 $0xFFFFF000  }
0xc4: {  	v1 =	vld [tilespmem:s20+$0xFFFFF870]  }
0xc5: {  	v2 =	vld [tilespmem:s20+$0x70]  }
0xc6: {  	v0 =	vld [tilespmem:s20+$0x0]  }
0xc7: {  	v3 =	vld [tilespmem:s20+$0xFFFFF810]  }
0xc8: {  	v4 =	vld [tilespmem:s20+$0x10]  }
0xc9: {  	v5 =	vld [tilespmem:s20+$0xFFFFF820]  }
0xca: {  	v6 =	vld [tilespmem:s20+$0x20]  }
0xcb: {  	v7 =	vld [tilespmem:s20+$0xFFFFF830]  }
0xcc: {  	v8 =	vld [tilespmem:s20+$0x30]  }
0xcd: {  	v9 =	vld [tilespmem:s20+$0xFFFFF840]  }
0xce: {  	v10 =	vld [tilespmem:s20+$0x40];
	v2 =	vmul.bf16 v2, v1  }
0xcf: {  	s19 =	simm.s32 $0x1B840;
	v4 =	vmul.bf16 v4, v3;
	v1 =	vld [tilespmem:s20+$0xFFFFF850]  }
0xd0: {  	v5 =	vmul.bf16 v6, v5;
	v3 =	vld [tilespmem:s20+$0x50];
	[tilespmem:s19+$0x30] =	vst v2  }
0xd1: {  	v6 =	vmul.bf16 v8, v7;
	[tilespmem:s19+$0xFFFFFFD0] =	vst v4;
	v2 =	vld [tilespmem:s20+$0xFFFFF860]  }
0xd2: {  	[tilespmem:s19+$0xFFFFFFE0] =	vst v5;
	v4 =	vld [tilespmem:s20+$0x60]  }
0xd3: {  	s18 =	sadd.s32 s18, s12;
	s7 =	simm.s32 $0x1B080;
	s6 =	simm.s32 $0x0;
	v5 =	vld [tilespmem:s20+$0xFFFFF800];
	[tilespmem:s19+$0xFFFFFFF0] =	vst v6;
	v6 =	vmul.bf16 v10, v9  }
.LBB2_9:
0xd4: {  	v7 =	vld [tilespmem:s7+$0xFFFFF870]  }
0xd5: {  	s6 =	sadd.s32 $0x8, s6;
	v8 =	vld [tilespmem:s7+$0x70];
	[tilespmem:s19+$0x0] =	vst v6;
	v1 =	vmul.bf16 v3, v1  }
0xd6: {  	p1 =	slt.u32 s6, $0x78;
	v3 =	vld [tilespmem:s7+$0x0]  }
0xd7: {  	v6 =	vld [tilespmem:s7+$0xFFFFF810];
	[tilespmem:s19+$0x10] =	vst v1;
	v1 =	vmul.bf16 v4, v2  }
0xd8: {  	v2 =	vld [tilespmem:s7+$0x10];
	v9 =	vmul.bf16 v0, v5  }
0xd9: {  	v4 =	vld [tilespmem:s7+$0xFFFFF820];
	[tilespmem:s19+$0x20] =	vst v1  }
0xda: {  	v1 =	vld [tilespmem:s7+$0x20];
	v5 =	vmul.bf16 v8, v7;
	[tilespmem:s19+$0xFFFFFFC0] =	vst v9  }
0xdb: {  	s19 =	sadd.s32 $0x80, s19;
	v7 =	vld [tilespmem:s7+$0xFFFFF830];
	v0 =	vmov v3  }
0xdc: {  	v8 =	vld [tilespmem:s7+$0x30];
	[tilespmem:s19+$0x30] =	vst v5  }
0xdd: {  	v2 =	vmul.bf16 v2, v6;
	v6 =	vld [tilespmem:s7+$0xFFFFF840]  }
0xde: {  	v9 =	vld [tilespmem:s7+$0x40]  }
.Ltmp3:
0xdf: {  	[tilespmem:s19+$0xFFFFFFD0] =	vst v2;
	v2 =	vmul.bf16 v1, v4;
	v1 =	vld [tilespmem:s7+$0xFFFFF850];
	(pc) =	sbr.rel @p1 .LBB2_9-.Ltmp3, $4  }
0xe0: {  	v3 =	vld [tilespmem:s7+$0x50]  }
0xe1: {  	[tilespmem:s19+$0xFFFFFFE0] =	vst v2;
	v7 =	vmul.bf16 v8, v7;
	v2 =	vld [tilespmem:s7+$0xFFFFF860]  }
0xe2: {  	v4 =	vld [tilespmem:s7+$0x60]  }
0xe3: {  	v5 =	vld [tilespmem:s7+$0xFFFFF800];
	[tilespmem:s19+$0xFFFFFFF0] =	vst v7;
	v6 =	vmul.bf16 v9, v6;
	s7 =	sadd.s32 $0x80, s7  }
0xe4: {  	_ =	sdelay $0x1  }
0xe5: {  	v1 =	vmul.bf16 v3, v1  }
0xe6: {  	[tilespmem:s19+$0x0] =	vst v6;
	v2 =	vmul.bf16 v4, v2  }
0xe7: {  	[tilespmem:s19+$0x10] =	vst v1;
	v0 =	vmul.bf16 v0, v5  }
0xe8: {  	s6 =	sshll.u32 s18, $0x4;
	[tilespmem:s19+$0x20] =	vst v2  }
0xe9: {  	s6 =	sadd.s32 s4, s6;
	[tilespmem:s19+$0xFFFFFFC0] =	vst v0  }
0xea: {  	[hbm4b:s6+s2] =	stream.linear.scatter [tilespmem:s29], [sflag:$0x8], $0x800, $0x38;
	[tilespmem:$0x1C000] =	vst v63  }
0xeb: {  	s6 =	sadd.s32 $0x7, s17  }
0xec: {  	p1 =	sge.u32 s6, s5  }
0xed: {  	s16 =	sadd.s32 $0x1, s16;
	s6 =	sshll.u32 @!p1 s6, $0x8  }
0xee: {  	s7 =	simm.s32 @!p1 $0x100;
	s17 =	simm.s32 @!p1 $0x1A800;
	s6 =	sand.u32 @!p1 $0x3FFFFF00, s6  }
0xef: {  	[tilespmem:s17], [sflag:$0x4] =	stream.indirect.gather @!p1 [hbm4b:s3+s7], $0x10, s6, s7, $0xb8;
	[tilespmem:$0x1C000] =	vst v63  }
0xf0: {  	p1 =	sne.s32 s16, s8  }
.Ltmp4:
0xf1: {  	_ = 	snop;
	(pc) =	sbr.rel @p1 .LBB2_2-.Ltmp4, $1  }
0xf2: {  	_ =	sdelay $0x3  }
0xf3: {  	_ =	swait.ge [sflag:s30], $0x800  }
0xf4: {  	[sflag:s30] =	ssyncset.done $0x0  }
0xf5: {  	[sflag:s30] =	ssyncadd.s32 $0xFFFFF800  }
0xf6: {  	_ =	swait.ge [sflag:s31], $0x800  }
0xf7: {  	[sflag:s31] =	ssyncset.done $0x0  }
0xf8: {  	s15 =	sadd.s32 $0x1, s15;
	[sflag:s31] =	ssyncadd.s32 $0xFFFFF800  }
0xf9: {  	p1 =	sne.s32 s15, s13;
	_ =	swait.ge [sflag:s0], $0x800  }
.Ltmp5:
0xfa: {  	[sflag:s0] =	ssyncset.done $0x0;
	(pc) =	sbr.rel @p1 .LBB2_1-.Ltmp5, $4  }
0xfb: {  	[sflag:s0] =	ssyncadd.s32 $0xFFFFF800  }
0xfc: {  	_ =	swait.ge [sflag:s1], $0x800  }
0xfd: {  	[sflag:s1] =	ssyncset.done $0x0  }
0xfe: {  	[sflag:s1] =	ssyncadd.s32 $0xFFFFF800  }
0xff: {  	_ =	sfence.sel $0x180000  }
0x100: {  	[bflag:$0x0] =	sbarrier.arrive $0xFFFF  }
0x101: {  	_ =	strace $0x90000047  }
0x102: {  	s0 =	stileid.u32;
	[bflag:$0x2] =	sbarrier.arrive $0xFFFF  }
0x103: {  	p0 =	sne.s32 s0, $0x0;
	s0 =	rddreg [dreg:$0x1]  }
0x104: {  	s0 =	sadd.s32 @!p0 $0x100000, s0  }
0x105: {  	[sflag:s0] =	ssyncadd.tile.s32 @!p0 $0x1;
	_ =	shalt  }
.Lfunc_end2:
_tile_overlayer_lowered:
.L_overlay_start_2:
0x106: {  	(tag) =	ssettag $0x2  }
0x107: {  	s0 =	rddreg [dreg:$0x0];
	s2 =	stileid.u32  }
0x108: {  	s1 =	rddreg [dreg:$0x1];
	p0 =	sne.s32 s2, $0x0  }
0x109: {  	s3 =	rddreg [dreg:$0x2];
	[bflag:$0x3] =	sbarrier.arrive $0xFFFF;
	s2 =	simm.s32 @!p0 $0x1C09  }
0x10a: {  	[timem:s3], [sflag:s2] =	dma.local @!p0 [hbm:s0], s1  }
0x10b: {  	s0 =	simm.s32 @!p0 $0x9  }
0x10c: {  	_ =	swait.ge @!p0 [sflag:s0], s1  }
0x10d: {  	s1 =	ssub.s32 @!p0 $0x0, s1;
	[sflag:s0] =	ssyncset.done @!p0 $0x0  }
0x10e: {  	[sflag:s0] =	ssyncadd.s32 @!p0 s1  }
0x10f: {  	[bflag:$0x3] =	sbarrier.arrive $0xFFFF  }
0x110: {  	_ =	shalt  }

</sc_bundles>
